<compile_context>
chip_gen: v7x
topology: tpu7x:2x2x1
jax: 0.10.2.dev20260603
libtpu: 0.0.44.dev20260713+nightly
codegen_flags: <defaults>
</compile_context>

<pallas_src>
import functools

import jax
import jax.numpy as jnp
from jax import lax
from jax.experimental import pallas as pl
from jax.experimental.pallas import tpu as pltpu
from jax.experimental.pallas import tpu_sc as plsc

_M = 131072
_NW = 32
_S = _M // _NW
_CH = 2048
_CH_SHIFT = 11
_GROW = 128
_NROW = _S // _GROW

_params = pltpu.CompilerParams(
    needs_layout_passes=False, use_tc_tiling_on_sc=False)


def _wid():
  return lax.axis_index("s") * 2 + lax.axis_index("c")


def _mesh():
  return plsc.VectorSubcoreMesh(core_axis_name="c", subcore_axis_name="s")


@functools.cache
def _make_sums_kernel():
  @functools.partial(
      pl.kernel,
      mesh=_mesh(),
      out_type=jax.ShapeDtypeStruct((4 * _M,), jnp.float32),
      scratch_types=[
          pltpu.VMEM((_CH,), jnp.int32),
          pltpu.VMEM((_CH * 3,), jnp.float32),
          pltpu.VMEM((_S,), jnp.float32),
          pltpu.VMEM((_S,), jnp.float32),
          pltpu.VMEM((_S,), jnp.float32),
          pltpu.VMEM((_S,), jnp.float32),
          pltpu.VMEM((64,), jnp.int32),
      ],
      compiler_params=_params,
  )
  def sums_kernel(cflat_hbm, seg_hbm, bounds_hbm, out_s,
                  seg_v, xyz_v, sx_v, sy_v, sz_v, cnt_v, bnd_s):
    wid = _wid()
    seg_base = wid * _S
    lane = lax.broadcasted_iota(jnp.int32, (16,), 0)
    lane3 = lane * 3
    zf = jnp.zeros((16,), jnp.float32)
    onesf = zf + 1.0

    pltpu.sync_copy(bounds_hbm, bnd_s)
    bvec = bnd_s[pl.ds(wid, 16)]
    p_lo = bvec[0]
    p_hi = bvec[1]
    c_lo = lax.shift_right_logical(p_lo, _CH_SHIFT)
    c_hi = lax.shift_right_logical(p_hi + (_CH - 1), _CH_SHIFT)

    def init_body(i, _):
      sl = pl.ds(i * 16, 16)
      sx_v[sl] = zf
      sy_v[sl] = zf
      sz_v[sl] = zf
      cnt_v[sl] = zf
      return 0

    lax.fori_loop(0, _S // 16, init_body, 0, unroll=False)

    def p1_chunk(ci, _):
      pbase = ci * _CH
      pltpu.sync_copy(seg_hbm.at[pl.ds(pbase, _CH)], seg_v)
      pltpu.sync_copy(cflat_hbm.at[pl.ds(pbase * 3, _CH * 3)], xyz_v)

      def grp(g, _):
        off = g * 16
        seg = seg_v[pl.ds(off, 16)]
        lseg = seg - seg_base
        valid = (lseg >= 0) & (lseg < _S)
        lsegc = jnp.clip(lseg, 0, _S - 1)
        base3 = lane3 + off * 3
        x = plsc.load_gather(xyz_v, [base3])
        y = plsc.load_gather(xyz_v, [base3 + 1])
        z = plsc.load_gather(xyz_v, [base3 + 2])
        plsc.addupdate_scatter(sx_v, [lsegc], x, mask=valid)
        plsc.addupdate_scatter(sy_v, [lsegc], y, mask=valid)
        plsc.addupdate_scatter(sz_v, [lsegc], z, mask=valid)
        plsc.addupdate_scatter(cnt_v, [lsegc], onesf, mask=valid)
        return 0

      lax.fori_loop(0, _CH // 16, grp, 0, unroll=False)
      return 0

    lax.fori_loop(c_lo, c_hi, p1_chunk, 0, unroll=False)

    pltpu.sync_copy(sx_v, out_s.at[pl.ds(seg_base, _S)])
    pltpu.sync_copy(sy_v, out_s.at[pl.ds(_M + seg_base, _S)])
    pltpu.sync_copy(sz_v, out_s.at[pl.ds(2 * _M + seg_base, _S)])
    pltpu.sync_copy(cnt_v, out_s.at[pl.ds(3 * _M + seg_base, _S)])

  return sums_kernel


_CAP = 4096
_CAPC = 16384


@functools.cache
def _make_expand_kernel(n_points):
  nchunks_per_tile = n_points // _CH // _NW

  @functools.partial(
      pl.kernel,
      mesh=_mesh(),
      out_type=jax.ShapeDtypeStruct((n_points * 3,), jnp.float32),
      scratch_types=[
          pltpu.VMEM((_CH + 16,), jnp.int32),
          pltpu.VMEM((_CH * 3,), jnp.float32),
          pltpu.VMEM((_CAP,), jnp.float32),
          pltpu.VMEM((_CAP,), jnp.float32),
          pltpu.VMEM((_CAP,), jnp.float32),
      ],
      compiler_params=_params,
  )
  def expand_kernel(seg_hbm, ax_hbm, ay_hbm, az_hbm, out_exp,
                    seg_v, row_v, axb, ayb, azb):
    wid = _wid()
    lane = lax.broadcasted_iota(jnp.int32, (16,), 0)
    lane3 = lane * 3

    def chunk(ci, _):
      gci = wid * nchunks_per_tile + ci
      pbase = gci * _CH
      pltpu.sync_copy(seg_hbm.at[pl.ds(pbase, _CH)], seg_v.at[pl.ds(0, _CH)])

      def cond(pstart):
        return pstart < _CH

      def body(pstart):
        svec = seg_v[pl.ds(pstart, 16)]
        c0 = jnp.minimum(svec[0] & jnp.int32(-8), jnp.int32(_M - _CAP))
        c0 = pl.multiple_of(c0, 8)
        pltpu.sync_copy(ax_hbm.at[pl.ds(c0, _CAP)], axb)
        pltpu.sync_copy(ay_hbm.at[pl.ds(c0, _CAP)], ayb)
        pltpu.sync_copy(az_hbm.at[pl.ds(c0, _CAP)], azb)

        def grp(g, nxt):
          off = g * 16
          seg = seg_v[pl.ds(off, 16)]
          lseg = seg - c0
          inpass = (lseg >= 0) & (lseg < _CAP)
          lsegc = jnp.clip(lseg, 0, _CAP - 1)
          ax = plsc.load_gather(axb, [lsegc])
          ay = plsc.load_gather(ayb, [lsegc])
          az = plsc.load_gather(azb, [lsegc])
          base3 = lane3 + off * 3
          plsc.store_scatter(row_v, [base3], ax, mask=inpass)
          plsc.store_scatter(row_v, [base3 + 1], ay, mask=inpass)
          plsc.store_scatter(row_v, [base3 + 2], az, mask=inpass)
          over = jnp.where(lseg >= _CAP, lane + off, _CH)
          return jnp.minimum(nxt, jnp.min(over))

        return lax.fori_loop(0, _CH // 16, grp, jnp.int32(_CH),
                             unroll=False)

      lax.while_loop(cond, body, jnp.int32(0))
      pltpu.sync_copy(row_v, out_exp.at[pl.ds(pbase * 3, _CH * 3)])
      return 0

    lax.fori_loop(0, nchunks_per_tile, chunk, 0, unroll=False)

  return expand_kernel


@functools.cache
def _make_argmin_kernel(n_points):
  @functools.partial(
      pl.kernel,
      mesh=_mesh(),
      out_type=(
          jax.ShapeDtypeStruct((_M * 3,), jnp.float32),
          jax.ShapeDtypeStruct((_M,), jnp.int32),
      ),
      scratch_types=[
          pltpu.VMEM((_CH,), jnp.int32),
          pltpu.VMEM((_CH,), jnp.float32),
          pltpu.VMEM((_S,), jnp.float32),
          pltpu.VMEM((_S,), jnp.int32),
          pltpu.VMEM((16,), jnp.float32),
          pltpu.VMEM((16,), jnp.int32),
          pltpu.VMEM((16,), jnp.int32),
          pltpu.VMEM((_S * 3,), jnp.float32),
          pltpu.VMEM((_CAPC * 3,), jnp.float32),
          pltpu.VMEM((64,), jnp.int32),
      ],
      compiler_params=_params,
  )
  def argmin_kernel(cflat_hbm, seg_hbm, dist_hbm, bounds_hbm,
                    out_coords, out_map,
                    seg_v, dist_v, bd2_v, bidx_v, d2_b, ix_b, seg_b,
                    rows_v, cwin_v, bnd_s):
    wid = _wid()
    seg_base = wid * _S
    lane = lax.broadcasted_iota(jnp.int32, (16,), 0)
    shifts = [jnp.maximum(lane - d, 0) for d in (1, 2, 4, 8)]
    zf = jnp.zeros((16,), jnp.float32)
    inff = zf + jnp.float32(jnp.inf)
    minint = (lane * 0) + jnp.int32(-2147483648)

    pltpu.sync_copy(bounds_hbm, bnd_s)
    bvec = bnd_s[pl.ds(wid, 16)]
    p_lo = bvec[0]
    p_hi = bvec[1]
    c_lo = lax.shift_right_logical(p_lo, _CH_SHIFT)
    c_hi = lax.shift_right_logical(p_hi + (_CH - 1), _CH_SHIFT)

    def init_body(i, _):
      sl = pl.ds(i * 16, 16)
      bd2_v[sl] = inff
      bidx_v[sl] = minint
      return 0

    lax.fori_loop(0, _S // 16, init_body, 0, unroll=False)

    def p3_chunk(ci, _):
      pbase = ci * _CH
      pltpu.sync_copy(seg_hbm.at[pl.ds(pbase, _CH)], seg_v)
      pltpu.sync_copy(dist_hbm.at[pl.ds(pbase, _CH)], dist_v)

      def grp(g, _):
        off = g * 16
        seg = seg_v[pl.ds(off, 16)]
        lseg = seg - seg_base
        valid = (lseg >= 0) & (lseg < _S)
        lsegc = jnp.clip(lseg, 0, _S - 1)
        d2 = dist_v[pl.ds(off, 16)]
        pidx = pbase + off + lane
        _, last = plsc.scan_count(seg)
        seg_b[...] = seg
        for sh in shifts:
          d2_b[...] = d2
          ix_b[...] = pidx
          seg_sh = plsc.load_gather(seg_b, [sh])
          d2_sh = plsc.load_gather(d2_b, [sh])
          ix_sh = plsc.load_gather(ix_b, [sh])
          better = (seg_sh == seg) & (d2_sh < d2)
          d2 = jnp.where(better, d2_sh, d2)
          pidx = jnp.where(better, ix_sh, pidx)
        m = last & valid
        od2 = plsc.load_gather(bd2_v, [lsegc])
        oix = plsc.load_gather(bidx_v, [lsegc])
        takec = d2 <= od2
        nd2 = jnp.where(takec, d2, od2)
        nix = jnp.where(takec, pidx, oix)
        plsc.store_scatter(bd2_v, [lsegc], nd2, mask=m)
        plsc.store_scatter(bidx_v, [lsegc], nix, mask=m)
        return 0

      lax.fori_loop(0, _CH // 16, grp, 0, unroll=False)
      return 0

    lax.fori_loop(c_lo, c_hi, p3_chunk, 0, unroll=False)

    def wcond(wbase):
      return wbase < p_hi

    def wbody(wbase):
      w_lo = jnp.minimum(wbase, jnp.int32(n_points - _CAPC))
      w_lo = pl.multiple_of(w_lo, 8)
      pltpu.sync_copy(cflat_hbm.at[pl.ds(w_lo * 3, _CAPC * 3)], cwin_v)

      def cgrp(i, _):
        base = i * 16
        idx = bidx_v[pl.ds(base, 16)]
        inwin = (idx >= w_lo) & (idx < w_lo + _CAPC)
        li3 = (idx - w_lo) * 3
        gx = plsc.load_gather(cwin_v, [li3], mask=inwin)
        gy = plsc.load_gather(cwin_v, [li3 + 1], mask=inwin)
        gz = plsc.load_gather(cwin_v, [li3 + 2], mask=inwin)
        cell3 = (base + lane) * 3
        plsc.store_scatter(rows_v, [cell3], gx, mask=inwin)
        plsc.store_scatter(rows_v, [cell3 + 1], gy, mask=inwin)
        plsc.store_scatter(rows_v, [cell3 + 2], gz, mask=inwin)
        return 0

      lax.fori_loop(0, _S // 16, cgrp, 0, unroll=False)
      return wbase + _CAPC

    w0 = pl.multiple_of(p_lo & jnp.int32(-8), 8)
    lax.while_loop(wcond, wbody, w0)

    pltpu.sync_copy(rows_v, out_coords.at[pl.ds(seg_base * 3, _S * 3)])
    pltpu.sync_copy(bidx_v, out_map.at[pl.ds(seg_base, _S)])

  return argmin_kernel


@jax.jit
def _run(coords, seg):
  n = coords.shape[0]
  seg = seg.astype(jnp.int32)
  cflat = coords.reshape(-1)
  cuts = jnp.arange(0, _M + 1, _S, dtype=jnp.int32)
  bounds = jnp.searchsorted(seg, cuts, side="left").astype(jnp.int32)
  bounds = jnp.pad(bounds, (0, 64 - bounds.shape[0]))

  sums4 = _make_sums_kernel()(cflat, seg, bounds)
  cnt = jnp.maximum(sums4[3 * _M:], 1.0)
  ax = sums4[:_M] / cnt
  ay = sums4[_M:2 * _M] / cnt
  az = sums4[2 * _M:3 * _M] / cnt

  avg_exp = _make_expand_kernel(n)(seg, ax, ay, az).reshape(n, 3)
  diff = avg_exp - coords
  dist = jnp.sqrt(jnp.sum(diff ** 2, axis=1))

  new_flat, dmap = _make_argmin_kernel(n)(cflat, seg, dist, bounds)
  new_coords = new_flat.reshape(_M, 3)
  empty = dmap == jnp.int32(-2147483648)
  new_coords = jnp.where(empty[:, None], coords[0], new_coords)
  return new_coords, dmap


def kernel(coords, segment_ids):
  return _run(coords, segment_ids)

# --- scband reference (transcript-rebuilt; emitter-appended) ---
"""Pipeline reference for scband-grid-coords-down-25056839205748 (READ-ONLY COPY).

The authoritative reference and input builder live on the scoring server;
editing this copy changes nothing except your own understanding.
"""

import jax, jax.numpy as jnp
import numpy as np

N = 1048576
M = 131072

def setup_inputs(seed: int = 0) -> dict:
    key = jax.random.key(seed)
    k1, k2 = jax.random.split(key)
    coords = jax.random.normal(k1, (N, 3), dtype=jnp.float32) * 10.0
    segment_ids = jnp.sort(jax.random.randint(k2, (N,), 0, M, dtype=jnp.int64))
    return {"coords": coords, "segment_ids": segment_ids}

def reference(coords, segment_ids):
    # GridCoordsDown: for each downsampled voxel cell (segment), compute the
    # average coordinate (MinkowskiAvgPooling), broadcast it back to every
    # point in the cell (MinkowskiPoolingTranspose / unpool), compute negative
    # euclidean distance to the cell average, take the per-cell max of the
    # negative distance (MinkowskiMaxPooling == nearest point to centroid),
    # build downsample_map selecting that nearest point per cell, and gather
    # its coordinates as the new (downsampled) coordinates.
    n = coords.shape[0]
    seg = segment_ids
    ones = jnp.ones((n,), dtype=coords.dtype)
    counts = jax.ops.segment_sum(ones, seg, num_segments=M)
    sums = jax.ops.segment_sum(coords, seg, num_segments=M)
    avg = sums / jnp.maximum(counts, 1.0)[:, None]
    # unpool(avg) - coords
    diff = jnp.take(avg, seg, axis=0) - coords
    dist = -jnp.sqrt(jnp.sum(diff ** 2, axis=1))
    # max-pool of negative distance == min distance per cell
    min_dist = jax.ops.segment_max(dist, seg, num_segments=M)
    # mask: points achieving the per-cell minimum distance
    mask = jnp.take(min_dist, seg, axis=0) == dist
    # downsample_map[cell] = index of the selected point (ties: largest idx)
    idx = jnp.where(mask, jnp.arange(n, dtype=jnp.int64), jnp.int64(-1))
    downsample_map = jax.ops.segment_max(idx, seg, num_segments=M)
    dmap_safe = jnp.clip(downsample_map, 0, n - 1)
    new_coords = jnp.take(coords, dmap_safe, axis=0)
    return new_coords, downsample_map

if __name__ == "__main__":
    import jax
    _d = setup_inputs()
    print(jax.jit(kernel)(*tuple(_d.values())))

</pallas_src>

<mosaic_0001>
#map = affine_map<(d0, d1) -> (0)>
module attributes {stable_mosaic.version = 14 : i64} {
  func.func @sums_kernel(%arg0: i32, %arg1: i32, %arg2: memref<3145728xf32, #tpu.memory_space<hbm>>, %arg3: memref<1048576xi32, #tpu.memory_space<hbm>>, %arg4: memref<64xi32, #tpu.memory_space<hbm>>, %arg5: memref<524288xf32, #tpu.memory_space<hbm>>, %arg6: memref<2048xi32, #tpu.memory_space<vmem>>, %arg7: memref<6144xf32, #tpu.memory_space<vmem>>, %arg8: memref<4096xf32, #tpu.memory_space<vmem>>, %arg9: memref<4096xf32, #tpu.memory_space<vmem>>, %arg10: memref<4096xf32, #tpu.memory_space<vmem>>, %arg11: memref<4096xf32, #tpu.memory_space<vmem>>, %arg12: memref<64xi32, #tpu.memory_space<vmem>>) attributes {dimension_semantics = [#tpu.dimension_semantics<core_parallel>, #tpu.dimension_semantics<subcore_parallel>], iteration_bounds = array<i64: 2, 16>, scalar_prefetch = 0 : i64, scratch_operands = 7 : i64, tpu.core_type = #tpu.core_type<sc_vector_subcore>, window_params = [{transform_indices = #map}, {transform_indices = #map}, {transform_indices = #map}, {transform_indices = #map}]} {
    %mul3A = arith.constant 2 : i32
    %mul3A_0 = arith.muli %arg1, %mul3A : i32
    %add3A = arith.addi %mul3A_0, %arg0 : i32
    %mul3A_1 = arith.constant 4096 : i32
    %mul3A_2 = arith.muli %add3A, %mul3A_1 : i32
    %iota3A = tpu.iota {dimensions = array<i32: 0>} : vector<16xi32>
    %mul3A_3 = arith.constant 3 : i32
    %mul3A_4 = vector.broadcast %mul3A_3 : i32 to vector<16xi32>
    %mul3A_5 = arith.muli %iota3A, %mul3A_4 : vector<16xi32>
    %broadcast_in_dim3A = arith.constant 0.000000e+00 : f32
    %broadcast_in_dim3A_6 = vector.broadcast %broadcast_in_dim3A : f32 to vector<16xf32>
    %add3A_7 = arith.constant 1.000000e+00 : f32
    %add3A_8 = vector.broadcast %add3A_7 : f32 to vector<16xf32>
    %add3A_9 = arith.addf %broadcast_in_dim3A_6, %add3A_8 : vector<16xf32>
    "tpu.region"() ({
      %run_scoped3A = tpu.sem_alloc : memref<!tpu.dma_semaphore, #tpu.memory_space<semaphore_mem>>
      tpu.enqueue_dma source(%arg4 : memref<64xi32, #tpu.memory_space<hbm>>) target(%arg12 : memref<64xi32, #tpu.memory_space<vmem>>) target_semaphore(%run_scoped3A : memref<!tpu.dma_semaphore, #tpu.memory_space<semaphore_mem>>)
      tpu.wait_dma2 semaphore(%run_scoped3A : memref<!tpu.dma_semaphore, #tpu.memory_space<semaphore_mem>>) src(%arg4 : memref<64xi32, #tpu.memory_space<hbm>>) dst(%arg12 : memref<64xi32, #tpu.memory_space<vmem>>)
      tpu.yield
    }) : () -> ()
    %get3A = arith.index_cast %add3A : i32 to index
    %get3A_10 = tpu.vector_load %arg12[%get3A] {strides = array<i32>} : memref<64xi32, #tpu.memory_space<vmem>>, vector<16xi32>,
    %slice3A = vector.extract_strided_slice %get3A_10 {offsets = [0], sizes = [1], strides = [1]} : vector<16xi32> to vector<1xi32>
    %squeeze3A = vector.extract %slice3A[0] : i32 from vector<1xi32>
    %slice3A_11 = vector.extract_strided_slice %get3A_10 {offsets = [1], sizes = [1], strides = [1]} : vector<16xi32> to vector<1xi32>
    %squeeze3A_12 = vector.extract %slice3A_11[0] : i32 from vector<1xi32>
    %shift_right_logical3A = arith.constant 11 : i32
    %shift_right_logical3A_13 = arith.shrui %squeeze3A, %shift_right_logical3A : i32
    %add3A_14 = arith.constant 2047 : i32
    %add3A_15 = arith.addi %squeeze3A_12, %add3A_14 : i32
    %shift_right_logical3A_16 = arith.constant 11 : i32
    %shift_right_logical3A_17 = arith.shrui %add3A_15, %shift_right_logical3A_16 : i32
    %scan3A = arith.constant 0 : i32
    %scan3A_18 = arith.constant 0 : i32
    %scan3A_19 = arith.constant 256 : i32
    %scan3A_20 = arith.addi %scan3A_18, %scan3A_19 : i32
    %scan3A_21 = arith.constant 1 : i32
    %scan3A_22 = scf.for %scan3A_40 = %scan3A_18 to %scan3A_20 step %scan3A_21 iter_args(%scan3A_41 = %scan3A) -> (i32)  : i32 {
      %mul3A_42 = arith.constant 16 : i32
      %mul3A_43 = arith.muli %scan3A_40, %mul3A_42 : i32
      %swap3A = arith.index_cast %mul3A_43 : i32 to index
      %swap3A_44 = tpu.vector_load %arg8[%swap3A] {strides = array<i32>} : memref<4096xf32, #tpu.memory_space<vmem>>, vector<16xf32>,
      tpu.vector_store %arg8[%swap3A], %broadcast_in_dim3A_6 {strides = array<i32>} : memref<4096xf32, #tpu.memory_space<vmem>>, vector<16xf32>,
      %swap3A_45 = arith.index_cast %mul3A_43 : i32 to index
      %swap3A_46 = tpu.vector_load %arg9[%swap3A_45] {strides = array<i32>} : memref<4096xf32, #tpu.memory_space<vmem>>, vector<16xf32>,
      tpu.vector_store %arg9[%swap3A_45], %broadcast_in_dim3A_6 {strides = array<i32>} : memref<4096xf32, #tpu.memory_space<vmem>>, vector<16xf32>,
      %swap3A_47 = arith.index_cast %mul3A_43 : i32 to index
      %swap3A_48 = tpu.vector_load %arg10[%swap3A_47] {strides = array<i32>} : memref<4096xf32, #tpu.memory_space<vmem>>, vector<16xf32>,
      tpu.vector_store %arg10[%swap3A_47], %broadcast_in_dim3A_6 {strides = array<i32>} : memref<4096xf32, #tpu.memory_space<vmem>>, vector<16xf32>,
      %swap3A_49 = arith.index_cast %mul3A_43 : i32 to index
      %swap3A_50 = tpu.vector_load %arg11[%swap3A_49] {strides = array<i32>} : memref<4096xf32, #tpu.memory_space<vmem>>, vector<16xf32>,
      tpu.vector_store %arg11[%swap3A_49], %broadcast_in_dim3A_6 {strides = array<i32>} : memref<4096xf32, #tpu.memory_space<vmem>>, vector<16xf32>,
      %scan3A_51 = arith.constant 0 : i32
      scf.yield %scan3A_51 : i32
    }
    %scan3A_23 = arith.constant 256 : i32
    %while3A = arith.constant 0 : i32
    %while3A_24 = arith.subi %shift_right_logical3A_17, %shift_right_logical3A_13 : i32
    %while3A_25 = arith.addi %shift_right_logical3A_13, %while3A_24 : i32
    %while3A_26 = arith.constant 1 : i32
    %while3A_27 = arith.divsi %while3A_24, %while3A_26 : i32
    %while3A_28 = arith.muli %while3A_27, %while3A_26 : i32
    %while3A_29 = arith.addi %shift_right_logical3A_13, %while3A_28 : i32
    %while3A_30 = arith.constant 1 : i32
    %while3A_31 = scf.for %while3A_40 = %shift_right_logical3A_13 to %while3A_29 step %while3A_30 iter_args(%while3A_41 = %while3A) -> (i32)  : i32 {
      %mul3A_42 = arith.constant 2048 : i32
      %mul3A_43 = arith.muli %while3A_40, %mul3A_42 : i32
      "tpu.region"() ({
        %run_scoped3A = tpu.sem_alloc : memref<!tpu.dma_semaphore, #tpu.memory_space<semaphore_mem>>
        %dma_start3A = tpu.memref_slice %arg3[%mul3A_43] : memref<1048576xi32, #tpu.memory_space<hbm>> -> memref<2048xi32, #tpu.memory_space<hbm>>
        %dma_start3A_54 = tpu.memref_slice %arg3[%mul3A_43] : memref<1048576xi32, #tpu.memory_space<hbm>> -> memref<2048xi32, #tpu.memory_space<hbm>>
        tpu.enqueue_dma source(%dma_start3A_54 : memref<2048xi32, #tpu.memory_space<hbm>>) target(%arg6 : memref<2048xi32, #tpu.memory_space<vmem>>) target_semaphore(%run_scoped3A : memref<!tpu.dma_semaphore, #tpu.memory_space<semaphore_mem>>)
        %dma_wait3A = tpu.memref_slice %arg3[%mul3A_43] : memref<1048576xi32, #tpu.memory_space<hbm>> -> memref<2048xi32, #tpu.memory_space<hbm>>
        %dma_wait3A_55 = tpu.memref_slice %arg3[%mul3A_43] : memref<1048576xi32, #tpu.memory_space<hbm>> -> memref<2048xi32, #tpu.memory_space<hbm>>
        tpu.wait_dma2 semaphore(%run_scoped3A : memref<!tpu.dma_semaphore, #tpu.memory_space<semaphore_mem>>) src(%dma_wait3A_55 : memref<2048xi32, #tpu.memory_space<hbm>>) dst(%arg6 : memref<2048xi32, #tpu.memory_space<vmem>>)
        tpu.yield
      }) : () -> ()
      %mul3A_44 = arith.constant 3 : i32
      %mul3A_45 = arith.muli %mul3A_43, %mul3A_44 : i32
      "tpu.region"() ({
        %run_scoped3A = tpu.sem_alloc : memref<!tpu.dma_semaphore, #tpu.memory_space<semaphore_mem>>
        %dma_start3A = tpu.memref_slice %arg2[%mul3A_45] : memref<3145728xf32, #tpu.memory_space<hbm>> -> memref<6144xf32, #tpu.memory_space<hbm>>
        %dma_start3A_54 = tpu.memref_slice %arg2[%mul3A_45] : memref<3145728xf32, #tpu.memory_space<hbm>> -> memref<6144xf32, #tpu.memory_space<hbm>>
        tpu.enqueue_dma source(%dma_start3A_54 : memref<6144xf32, #tpu.memory_space<hbm>>) target(%arg7 : memref<6144xf32, #tpu.memory_space<vmem>>) target_semaphore(%run_scoped3A : memref<!tpu.dma_semaphore, #tpu.memory_space<semaphore_mem>>)
        %dma_wait3A = tpu.memref_slice %arg2[%mul3A_45] : memref<3145728xf32, #tpu.memory_space<hbm>> -> memref<6144xf32, #tpu.memory_space<hbm>>
        %dma_wait3A_55 = tpu.memref_slice %arg2[%mul3A_45] : memref<3145728xf32, #tpu.memory_space<hbm>> -> memref<6144xf32, #tpu.memory_space<hbm>>
        tpu.wait_dma2 semaphore(%run_scoped3A : memref<!tpu.dma_semaphore, #tpu.memory_space<semaphore_mem>>) src(%dma_wait3A_55 : memref<6144xf32, #tpu.memory_space<hbm>>) dst(%arg7 : memref<6144xf32, #tpu.memory_space<vmem>>)
        tpu.yield
      }) : () -> ()
      %scan3A_46 = arith.constant 0 : i32
      %scan3A_47 = arith.constant 0 : i32
      %scan3A_48 = arith.constant 128 : i32
      %scan3A_49 = arith.addi %scan3A_47, %scan3A_48 : i32
      %scan3A_50 = arith.constant 1 : i32
      %scan3A_51 = scf.for %scan3A_54 = %scan3A_47 to %scan3A_49 step %scan3A_50 iter_args(%scan3A_55 = %scan3A_46) -> (i32)  : i32 {
        %mul3A_56 = arith.constant 16 : i32
        %mul3A_57 = arith.muli %scan3A_54, %mul3A_56 : i32
        %get3A_58 = arith.index_cast %mul3A_57 : i32 to index
        %get3A_59 = tpu.vector_load %arg6[%get3A_58] {strides = array<i32>} : memref<2048xi32, #tpu.memory_space<vmem>>, vector<16xi32>,
        %sub3A = vector.broadcast %mul3A_2 : i32 to vector<16xi32>
        %sub3A_60 = arith.subi %get3A_59, %sub3A : vector<16xi32>
        %ge3A = arith.constant 0 : i32
        %ge3A_61 = vector.broadcast %ge3A : i32 to vector<16xi32>
        %ge3A_62 = arith.cmpi sge, %sub3A_60, %ge3A_61 : vector<16xi32>
        %lt3A = arith.constant 4096 : i32
        %lt3A_63 = vector.broadcast %lt3A : i32 to vector<16xi32>
        %lt3A_64 = arith.cmpi slt, %sub3A_60, %lt3A_63 : vector<16xi32>
        %and3A = arith.andi %ge3A_62, %lt3A_64 : vector<16xi1>
        %jit3A = arith.constant 0 : i32
        %jit3A_65 = arith.constant 4095 : i32
        %max3A = vector.broadcast %jit3A : i32 to vector<16xi32>
        %max3A_66 = arith.maxsi %max3A, %sub3A_60 : vector<16xi32>
        %min3A = vector.broadcast %jit3A_65 : i32 to vector<16xi32>
        %min3A_67 = arith.minsi %min3A, %max3A_66 : vector<16xi32>
        %mul3A_68 = arith.constant 3 : i32
        %mul3A_69 = arith.muli %mul3A_57, %mul3A_68 : i32
        %add3A_70 = vector.broadcast %mul3A_69 : i32 to vector<16xi32>
        %add3A_71 = arith.addi %mul3A_5, %add3A_70 : vector<16xi32>
        %gather3A = tpu.vector_load_idx %arg7[%add3A_71] : memref<6144xf32, #tpu.memory_space<vmem>>[vector<16xi32>], vector<16xf32>,
        %add3A_72 = arith.constant 1 : i32
        %add3A_73 = vector.broadcast %add3A_72 : i32 to vector<16xi32>
        %add3A_74 = arith.addi %add3A_71, %add3A_73 : vector<16xi32>
        %gather3A_75 = tpu.vector_load_idx %arg7[%add3A_74] : memref<6144xf32, #tpu.memory_space<vmem>>[vector<16xi32>], vector<16xf32>,
        %add3A_76 = arith.constant 2 : i32
        %add3A_77 = vector.broadcast %add3A_76 : i32 to vector<16xi32>
        %add3A_78 = arith.addi %add3A_71, %add3A_77 : vector<16xi32>
        %gather3A_79 = tpu.vector_load_idx %arg7[%add3A_78] : memref<6144xf32, #tpu.memory_space<vmem>>[vector<16xi32>], vector<16xf32>,
        tpu.vector_store_idx %arg8[%min3A_67], %gather3A masked %and3A {add = true} : memref<4096xf32, #tpu.memory_space<vmem>>[vector<16xi32>], vector<16xf32>, vector<16xi1>
        tpu.vector_store_idx %arg9[%min3A_67], %gather3A_75 masked %and3A {add = true} : memref<4096xf32, #tpu.memory_space<vmem>>[vector<16xi32>], vector<16xf32>, vector<16xi1>
        tpu.vector_store_idx %arg10[%min3A_67], %gather3A_79 masked %and3A {add = true} : memref<4096xf32, #tpu.memory_space<vmem>>[vector<16xi32>], vector<16xf32>, vector<16xi1>
        tpu.vector_store_idx %arg11[%min3A_67], %add3A_9 masked %and3A {add = true} : memref<4096xf32, #tpu.memory_space<vmem>>[vector<16xi32>], vector<16xf32>, vector<16xi1>
        %scan3A_80 = arith.constant 0 : i32
        scf.yield %scan3A_80 : i32
      }
      %scan3A_52 = arith.constant 128 : i32
      %while3A_53 = arith.constant 0 : i32
      scf.yield %while3A_53 : i32
    }
    %while3A_32 = arith.constant 1 : i32
    %while3A_33 = scf.for %while3A_40 = %while3A_29 to %while3A_25 step %while3A_32 iter_args(%while3A_41 = %while3A_31) -> (i32)  : i32 {
      %mul3A_42 = arith.constant 2048 : i32
      %mul3A_43 = arith.muli %while3A_40, %mul3A_42 : i32
      "tpu.region"() ({
        %run_scoped3A = tpu.sem_alloc : memref<!tpu.dma_semaphore, #tpu.memory_space<semaphore_mem>>
        %dma_start3A = tpu.memref_slice %arg3[%mul3A_43] : memref<1048576xi32, #tpu.memory_space<hbm>> -> memref<2048xi32, #tpu.memory_space<hbm>>
        %dma_start3A_54 = tpu.memref_slice %arg3[%mul3A_43] : memref<1048576xi32, #tpu.memory_space<hbm>> -> memref<2048xi32, #tpu.memory_space<hbm>>
        tpu.enqueue_dma source(%dma_start3A_54 : memref<2048xi32, #tpu.memory_space<hbm>>) target(%arg6 : memref<2048xi32, #tpu.memory_space<vmem>>) target_semaphore(%run_scoped3A : memref<!tpu.dma_semaphore, #tpu.memory_space<semaphore_mem>>)
        %dma_wait3A = tpu.memref_slice %arg3[%mul3A_43] : memref<1048576xi32, #tpu.memory_space<hbm>> -> memref<2048xi32, #tpu.memory_space<hbm>>
        %dma_wait3A_55 = tpu.memref_slice %arg3[%mul3A_43] : memref<1048576xi32, #tpu.memory_space<hbm>> -> memref<2048xi32, #tpu.memory_space<hbm>>
        tpu.wait_dma2 semaphore(%run_scoped3A : memref<!tpu.dma_semaphore, #tpu.memory_space<semaphore_mem>>) src(%dma_wait3A_55 : memref<2048xi32, #tpu.memory_space<hbm>>) dst(%arg6 : memref<2048xi32, #tpu.memory_space<vmem>>)
        tpu.yield
      }) : () -> ()
      %mul3A_44 = arith.constant 3 : i32
      %mul3A_45 = arith.muli %mul3A_43, %mul3A_44 : i32
      "tpu.region"() ({
        %run_scoped3A = tpu.sem_alloc : memref<!tpu.dma_semaphore, #tpu.memory_space<semaphore_mem>>
        %dma_start3A = tpu.memref_slice %arg2[%mul3A_45] : memref<3145728xf32, #tpu.memory_space<hbm>> -> memref<6144xf32, #tpu.memory_space<hbm>>
        %dma_start3A_54 = tpu.memref_slice %arg2[%mul3A_45] : memref<3145728xf32, #tpu.memory_space<hbm>> -> memref<6144xf32, #tpu.memory_space<hbm>>
        tpu.enqueue_dma source(%dma_start3A_54 : memref<6144xf32, #tpu.memory_space<hbm>>) target(%arg7 : memref<6144xf32, #tpu.memory_space<vmem>>) target_semaphore(%run_scoped3A : memref<!tpu.dma_semaphore, #tpu.memory_space<semaphore_mem>>)
        %dma_wait3A = tpu.memref_slice %arg2[%mul3A_45] : memref<3145728xf32, #tpu.memory_space<hbm>> -> memref<6144xf32, #tpu.memory_space<hbm>>
        %dma_wait3A_55 = tpu.memref_slice %arg2[%mul3A_45] : memref<3145728xf32, #tpu.memory_space<hbm>> -> memref<6144xf32, #tpu.memory_space<hbm>>
        tpu.wait_dma2 semaphore(%run_scoped3A : memref<!tpu.dma_semaphore, #tpu.memory_space<semaphore_mem>>) src(%dma_wait3A_55 : memref<6144xf32, #tpu.memory_space<hbm>>) dst(%arg7 : memref<6144xf32, #tpu.memory_space<vmem>>)
        tpu.yield
      }) : () -> ()
      %scan3A_46 = arith.constant 0 : i32
      %scan3A_47 = arith.constant 0 : i32
      %scan3A_48 = arith.constant 128 : i32
      %scan3A_49 = arith.addi %scan3A_47, %scan3A_48 : i32
      %scan3A_50 = arith.constant 1 : i32
      %scan3A_51 = scf.for %scan3A_54 = %scan3A_47 to %scan3A_49 step %scan3A_50 iter_args(%scan3A_55 = %scan3A_46) -> (i32)  : i32 {
        %mul3A_56 = arith.constant 16 : i32
        %mul3A_57 = arith.muli %scan3A_54, %mul3A_56 : i32
        %get3A_58 = arith.index_cast %mul3A_57 : i32 to index
        %get3A_59 = tpu.vector_load %arg6[%get3A_58] {strides = array<i32>} : memref<2048xi32, #tpu.memory_space<vmem>>, vector<16xi32>,
        %sub3A = vector.broadcast %mul3A_2 : i32 to vector<16xi32>
        %sub3A_60 = arith.subi %get3A_59, %sub3A : vector<16xi32>
        %ge3A = arith.constant 0 : i32
        %ge3A_61 = vector.broadcast %ge3A : i32 to vector<16xi32>
        %ge3A_62 = arith.cmpi sge, %sub3A_60, %ge3A_61 : vector<16xi32>
        %lt3A = arith.constant 4096 : i32
        %lt3A_63 = vector.broadcast %lt3A : i32 to vector<16xi32>
        %lt3A_64 = arith.cmpi slt, %sub3A_60, %lt3A_63 : vector<16xi32>
        %and3A = arith.andi %ge3A_62, %lt3A_64 : vector<16xi1>
        %jit3A = arith.constant 0 : i32
        %jit3A_65 = arith.constant 4095 : i32
        %max3A = vector.broadcast %jit3A : i32 to vector<16xi32>
        %max3A_66 = arith.maxsi %max3A, %sub3A_60 : vector<16xi32>
        %min3A = vector.broadcast %jit3A_65 : i32 to vector<16xi32>
        %min3A_67 = arith.minsi %min3A, %max3A_66 : vector<16xi32>
        %mul3A_68 = arith.constant 3 : i32
        %mul3A_69 = arith.muli %mul3A_57, %mul3A_68 : i32
        %add3A_70 = vector.broadcast %mul3A_69 : i32 to vector<16xi32>
        %add3A_71 = arith.addi %mul3A_5, %add3A_70 : vector<16xi32>
        %gather3A = tpu.vector_load_idx %arg7[%add3A_71] : memref<6144xf32, #tpu.memory_space<vmem>>[vector<16xi32>], vector<16xf32>,
        %add3A_72 = arith.constant 1 : i32
        %add3A_73 = vector.broadcast %add3A_72 : i32 to vector<16xi32>
        %add3A_74 = arith.addi %add3A_71, %add3A_73 : vector<16xi32>
        %gather3A_75 = tpu.vector_load_idx %arg7[%add3A_74] : memref<6144xf32, #tpu.memory_space<vmem>>[vector<16xi32>], vector<16xf32>,
        %add3A_76 = arith.constant 2 : i32
        %add3A_77 = vector.broadcast %add3A_76 : i32 to vector<16xi32>
        %add3A_78 = arith.addi %add3A_71, %add3A_77 : vector<16xi32>
        %gather3A_79 = tpu.vector_load_idx %arg7[%add3A_78] : memref<6144xf32, #tpu.memory_space<vmem>>[vector<16xi32>], vector<16xf32>,
        tpu.vector_store_idx %arg8[%min3A_67], %gather3A masked %and3A {add = true} : memref<4096xf32, #tpu.memory_space<vmem>>[vector<16xi32>], vector<16xf32>, vector<16xi1>
        tpu.vector_store_idx %arg9[%min3A_67], %gather3A_75 masked %and3A {add = true} : memref<4096xf32, #tpu.memory_space<vmem>>[vector<16xi32>], vector<16xf32>, vector<16xi1>
        tpu.vector_store_idx %arg10[%min3A_67], %gather3A_79 masked %and3A {add = true} : memref<4096xf32, #tpu.memory_space<vmem>>[vector<16xi32>], vector<16xf32>, vector<16xi1>
        tpu.vector_store_idx %arg11[%min3A_67], %add3A_9 masked %and3A {add = true} : memref<4096xf32, #tpu.memory_space<vmem>>[vector<16xi32>], vector<16xf32>, vector<16xi1>
        %scan3A_80 = arith.constant 0 : i32
        scf.yield %scan3A_80 : i32
      }
      %scan3A_52 = arith.constant 128 : i32
      %while3A_53 = arith.constant 0 : i32
      scf.yield %while3A_53 : i32
    }
    "tpu.region"() ({
      %run_scoped3A = tpu.sem_alloc : memref<!tpu.dma_semaphore, #tpu.memory_space<semaphore_mem>>
      %dma_start3A = tpu.memref_slice %arg5[%mul3A_2] : memref<524288xf32, #tpu.memory_space<hbm>> -> memref<4096xf32, #tpu.memory_space<hbm>>
      %dma_start3A_40 = tpu.memref_slice %arg5[%mul3A_2] : memref<524288xf32, #tpu.memory_space<hbm>> -> memref<4096xf32, #tpu.memory_space<hbm>>
      tpu.enqueue_dma source(%arg8 : memref<4096xf32, #tpu.memory_space<vmem>>) target(%dma_start3A_40 : memref<4096xf32, #tpu.memory_space<hbm>>) target_semaphore(%run_scoped3A : memref<!tpu.dma_semaphore, #tpu.memory_space<semaphore_mem>>)
      %dma_wait3A = tpu.memref_slice %arg5[%mul3A_2] : memref<524288xf32, #tpu.memory_space<hbm>> -> memref<4096xf32, #tpu.memory_space<hbm>>
      %dma_wait3A_41 = tpu.memref_slice %arg5[%mul3A_2] : memref<524288xf32, #tpu.memory_space<hbm>> -> memref<4096xf32, #tpu.memory_space<hbm>>
      tpu.wait_dma2 semaphore(%run_scoped3A : memref<!tpu.dma_semaphore, #tpu.memory_space<semaphore_mem>>) src(%arg8 : memref<4096xf32, #tpu.memory_space<vmem>>) dst(%dma_wait3A_41 : memref<4096xf32, #tpu.memory_space<hbm>>)
      tpu.yield
    }) : () -> ()
    %add3A_34 = arith.constant 131072 : i32
    %add3A_35 = arith.addi %add3A_34, %mul3A_2 : i32
    "tpu.region"() ({
      %run_scoped3A = tpu.sem_alloc : memref<!tpu.dma_semaphore, #tpu.memory_space<semaphore_mem>>
      %dma_start3A = tpu.memref_slice %arg5[%add3A_35] : memref<524288xf32, #tpu.memory_space<hbm>> -> memref<4096xf32, #tpu.memory_space<hbm>>
      %dma_start3A_40 = tpu.memref_slice %arg5[%add3A_35] : memref<524288xf32, #tpu.memory_space<hbm>> -> memref<4096xf32, #tpu.memory_space<hbm>>
      tpu.enqueue_dma source(%arg9 : memref<4096xf32, #tpu.memory_space<vmem>>) target(%dma_start3A_40 : memref<4096xf32, #tpu.memory_space<hbm>>) target_semaphore(%run_scoped3A : memref<!tpu.dma_semaphore, #tpu.memory_space<semaphore_mem>>)
      %dma_wait3A = tpu.memref_slice %arg5[%add3A_35] : memref<524288xf32, #tpu.memory_space<hbm>> -> memref<4096xf32, #tpu.memory_space<hbm>>
      %dma_wait3A_41 = tpu.memref_slice %arg5[%add3A_35] : memref<524288xf32, #tpu.memory_space<hbm>> -> memref<4096xf32, #tpu.memory_space<hbm>>
      tpu.wait_dma2 semaphore(%run_scoped3A : memref<!tpu.dma_semaphore, #tpu.memory_space<semaphore_mem>>) src(%arg9 : memref<4096xf32, #tpu.memory_space<vmem>>) dst(%dma_wait3A_41 : memref<4096xf32, #tpu.memory_space<hbm>>)
      tpu.yield
    }) : () -> ()
    %add3A_36 = arith.constant 262144 : i32
    %add3A_37 = arith.addi %add3A_36, %mul3A_2 : i32
    "tpu.region"() ({
      %run_scoped3A = tpu.sem_alloc : memref<!tpu.dma_semaphore, #tpu.memory_space<semaphore_mem>>
      %dma_start3A = tpu.memref_slice %arg5[%add3A_37] : memref<524288xf32, #tpu.memory_space<hbm>> -> memref<4096xf32, #tpu.memory_space<hbm>>
      %dma_start3A_40 = tpu.memref_slice %arg5[%add3A_37] : memref<524288xf32, #tpu.memory_space<hbm>> -> memref<4096xf32, #tpu.memory_space<hbm>>
      tpu.enqueue_dma source(%arg10 : memref<4096xf32, #tpu.memory_space<vmem>>) target(%dma_start3A_40 : memref<4096xf32, #tpu.memory_space<hbm>>) target_semaphore(%run_scoped3A : memref<!tpu.dma_semaphore, #tpu.memory_space<semaphore_mem>>)
      %dma_wait3A = tpu.memref_slice %arg5[%add3A_37] : memref<524288xf32, #tpu.memory_space<hbm>> -> memref<4096xf32, #tpu.memory_space<hbm>>
      %dma_wait3A_41 = tpu.memref_slice %arg5[%add3A_37] : memref<524288xf32, #tpu.memory_space<hbm>> -> memref<4096xf32, #tpu.memory_space<hbm>>
      tpu.wait_dma2 semaphore(%run_scoped3A : memref<!tpu.dma_semaphore, #tpu.memory_space<semaphore_mem>>) src(%arg10 : memref<4096xf32, #tpu.memory_space<vmem>>) dst(%dma_wait3A_41 : memref<4096xf32, #tpu.memory_space<hbm>>)
      tpu.yield
    }) : () -> ()
    %add3A_38 = arith.constant 393216 : i32
    %add3A_39 = arith.addi %add3A_38, %mul3A_2 : i32
    "tpu.region"() ({
      %run_scoped3A = tpu.sem_alloc : memref<!tpu.dma_semaphore, #tpu.memory_space<semaphore_mem>>
      %dma_start3A = tpu.memref_slice %arg5[%add3A_39] : memref<524288xf32, #tpu.memory_space<hbm>> -> memref<4096xf32, #tpu.memory_space<hbm>>
      %dma_start3A_40 = tpu.memref_slice %arg5[%add3A_39] : memref<524288xf32, #tpu.memory_space<hbm>> -> memref<4096xf32, #tpu.memory_space<hbm>>
      tpu.enqueue_dma source(%arg11 : memref<4096xf32, #tpu.memory_space<vmem>>) target(%dma_start3A_40 : memref<4096xf32, #tpu.memory_space<hbm>>) target_semaphore(%run_scoped3A : memref<!tpu.dma_semaphore, #tpu.memory_space<semaphore_mem>>)
      %dma_wait3A = tpu.memref_slice %arg5[%add3A_39] : memref<524288xf32, #tpu.memory_space<hbm>> -> memref<4096xf32, #tpu.memory_space<hbm>>
      %dma_wait3A_41 = tpu.memref_slice %arg5[%add3A_39] : memref<524288xf32, #tpu.memory_space<hbm>> -> memref<4096xf32, #tpu.memory_space<hbm>>
      tpu.wait_dma2 semaphore(%run_scoped3A : memref<!tpu.dma_semaphore, #tpu.memory_space<semaphore_mem>>) src(%arg11 : memref<4096xf32, #tpu.memory_space<vmem>>) dst(%dma_wait3A_41 : memref<4096xf32, #tpu.memory_space<hbm>>)
      tpu.yield
    }) : () -> ()
    return
  }
}

#map = affine_map<(d0, d1) -> (0)>
module attributes {stable_mosaic.version = 14 : i64} {
  func.func @expand_kernel(%arg0: i32, %arg1: i32, %arg2: memref<1048576xi32, #tpu.memory_space<hbm>>, %arg3: memref<131072xf32, #tpu.memory_space<hbm>>, %arg4: memref<131072xf32, #tpu.memory_space<hbm>>, %arg5: memref<131072xf32, #tpu.memory_space<hbm>>, %arg6: memref<3145728xf32, #tpu.memory_space<hbm>>, %arg7: memref<2064xi32, #tpu.memory_space<vmem>>, %arg8: memref<6144xf32, #tpu.memory_space<vmem>>, %arg9: memref<4096xf32, #tpu.memory_space<vmem>>, %arg10: memref<4096xf32, #tpu.memory_space<vmem>>, %arg11: memref<4096xf32, #tpu.memory_space<vmem>>) attributes {dimension_semantics = [#tpu.dimension_semantics<core_parallel>, #tpu.dimension_semantics<subcore_parallel>], iteration_bounds = array<i64: 2, 16>, scalar_prefetch = 0 : i64, scratch_operands = 5 : i64, tpu.core_type = #tpu.core_type<sc_vector_subcore>, window_params = [{transform_indices = #map}, {transform_indices = #map}, {transform_indices = #map}, {transform_indices = #map}, {transform_indices = #map}]} {
    %mul3A = arith.constant 2 : i32
    %mul3A_0 = arith.muli %arg1, %mul3A : i32
    %add3A = arith.addi %mul3A_0, %arg0 : i32
    %iota3A = tpu.iota {dimensions = array<i32: 0>} : vector<16xi32>
    %mul3A_1 = arith.constant 3 : i32
    %mul3A_2 = vector.broadcast %mul3A_1 : i32 to vector<16xi32>
    %mul3A_3 = arith.muli %iota3A, %mul3A_2 : vector<16xi32>
    %scan3A = arith.constant 0 : i32
    %scan3A_4 = arith.constant 0 : i32
    %scan3A_5 = arith.constant 16 : i32
    %scan3A_6 = arith.addi %scan3A_4, %scan3A_5 : i32
    %scan3A_7 = arith.constant 1 : i32
    %scan3A_8 = scf.for %scan3A_10 = %scan3A_4 to %scan3A_6 step %scan3A_7 iter_args(%scan3A_11 = %scan3A) -> (i32)  : i32 {
      %mul3A_12 = arith.constant 16 : i32
      %mul3A_13 = arith.muli %add3A, %mul3A_12 : i32
      %add3A_14 = arith.addi %mul3A_13, %scan3A_10 : i32
      %mul3A_15 = arith.constant 2048 : i32
      %mul3A_16 = arith.muli %add3A_14, %mul3A_15 : i32
      "tpu.region"() ({
        %run_scoped3A = tpu.sem_alloc : memref<!tpu.dma_semaphore, #tpu.memory_space<semaphore_mem>>
        %dma_start3A = arith.constant 0 : i32
        %dma_start3A_21 = tpu.memref_slice %arg7[%dma_start3A] : memref<2064xi32, #tpu.memory_space<vmem>> -> memref<2048xi32, #tpu.memory_space<vmem>>
        %dma_start3A_22 = tpu.memref_slice %arg2[%mul3A_16] : memref<1048576xi32, #tpu.memory_space<hbm>> -> memref<2048xi32, #tpu.memory_space<hbm>>
        %dma_start3A_23 = arith.constant 0 : i32
        %dma_start3A_24 = tpu.memref_slice %arg7[%dma_start3A_23] : memref<2064xi32, #tpu.memory_space<vmem>> -> memref<2048xi32, #tpu.memory_space<vmem>>
        %dma_start3A_25 = tpu.memref_slice %arg2[%mul3A_16] : memref<1048576xi32, #tpu.memory_space<hbm>> -> memref<2048xi32, #tpu.memory_space<hbm>>
        tpu.enqueue_dma source(%dma_start3A_25 : memref<2048xi32, #tpu.memory_space<hbm>>) target(%dma_start3A_24 : memref<2048xi32, #tpu.memory_space<vmem>>) target_semaphore(%run_scoped3A : memref<!tpu.dma_semaphore, #tpu.memory_space<semaphore_mem>>)
        %dma_wait3A = arith.constant 0 : i32
        %dma_wait3A_26 = tpu.memref_slice %arg7[%dma_wait3A] : memref<2064xi32, #tpu.memory_space<vmem>> -> memref<2048xi32, #tpu.memory_space<vmem>>
        %dma_wait3A_27 = tpu.memref_slice %arg2[%mul3A_16] : memref<1048576xi32, #tpu.memory_space<hbm>> -> memref<2048xi32, #tpu.memory_space<hbm>>
        %dma_wait3A_28 = arith.constant 0 : i32
        %dma_wait3A_29 = tpu.memref_slice %arg7[%dma_wait3A_28] : memref<2064xi32, #tpu.memory_space<vmem>> -> memref<2048xi32, #tpu.memory_space<vmem>>
        %dma_wait3A_30 = tpu.memref_slice %arg2[%mul3A_16] : memref<1048576xi32, #tpu.memory_space<hbm>> -> memref<2048xi32, #tpu.memory_space<hbm>>
        tpu.wait_dma2 semaphore(%run_scoped3A : memref<!tpu.dma_semaphore, #tpu.memory_space<semaphore_mem>>) src(%dma_wait3A_30 : memref<2048xi32, #tpu.memory_space<hbm>>) dst(%dma_wait3A_29 : memref<2048xi32, #tpu.memory_space<vmem>>)
        tpu.yield
      }) : () -> ()
      %while3A = arith.constant 0 : i32
      %while3A_17 = scf.while (%while3A_21 = %while3A) : (i32) -> i32 {
        %lt3A = arith.constant 2048 : i32
        %lt3A_22 = arith.cmpi slt, %while3A_21, %lt3A : i32
        scf.condition(%lt3A_22) %while3A_21 : i32
      } do {
      ^bb0(%while3A_21: i32):
        %get3A = arith.index_cast %while3A_21 : i32 to index
        %get3A_22 = tpu.vector_load %arg7[%get3A] {strides = array<i32>} : memref<2064xi32, #tpu.memory_space<vmem>>, vector<16xi32>,
        %slice3A = vector.extract_strided_slice %get3A_22 {offsets = [0], sizes = [1], strides = [1]} : vector<16xi32> to vector<1xi32>
        %squeeze3A = vector.extract %slice3A[0] : i32 from vector<1xi32>
        %and3A = arith.constant -8 : i32
        %and3A_23 = arith.andi %squeeze3A, %and3A : i32
        %min3A = arith.constant 126976 : i32
        %min3A_24 = arith.minsi %and3A_23, %min3A : i32
        %multiple_of3A = tpu.assume_multiple %min3A_24, 8 : i32
        "tpu.region"() ({
          %run_scoped3A = tpu.sem_alloc : memref<!tpu.dma_semaphore, #tpu.memory_space<semaphore_mem>>
          %dma_start3A = tpu.memref_slice %arg3[%multiple_of3A] : memref<131072xf32, #tpu.memory_space<hbm>> -> memref<4096xf32, #tpu.memory_space<hbm>>
          %dma_start3A_32 = tpu.memref_slice %arg3[%multiple_of3A] : memref<131072xf32, #tpu.memory_space<hbm>> -> memref<4096xf32, #tpu.memory_space<hbm>>
          tpu.enqueue_dma source(%dma_start3A_32 : memref<4096xf32, #tpu.memory_space<hbm>>) target(%arg9 : memref<4096xf32, #tpu.memory_space<vmem>>) target_semaphore(%run_scoped3A : memref<!tpu.dma_semaphore, #tpu.memory_space<semaphore_mem>>)
          %dma_wait3A = tpu.memref_slice %arg3[%multiple_of3A] : memref<131072xf32, #tpu.memory_space<hbm>> -> memref<4096xf32, #tpu.memory_space<hbm>>
          %dma_wait3A_33 = tpu.memref_slice %arg3[%multiple_of3A] : memref<131072xf32, #tpu.memory_space<hbm>> -> memref<4096xf32, #tpu.memory_space<hbm>>
          tpu.wait_dma2 semaphore(%run_scoped3A : memref<!tpu.dma_semaphore, #tpu.memory_space<semaphore_mem>>) src(%dma_wait3A_33 : memref<4096xf32, #tpu.memory_space<hbm>>) dst(%arg9 : memref<4096xf32, #tpu.memory_space<vmem>>)
          tpu.yield
        }) : () -> ()
        "tpu.region"() ({
          %run_scoped3A = tpu.sem_alloc : memref<!tpu.dma_semaphore, #tpu.memory_space<semaphore_mem>>
          %dma_start3A = tpu.memref_slice %arg4[%multiple_of3A] : memref<131072xf32, #tpu.memory_space<hbm>> -> memref<4096xf32, #tpu.memory_space<hbm>>
          %dma_start3A_32 = tpu.memref_slice %arg4[%multiple_of3A] : memref<131072xf32, #tpu.memory_space<hbm>> -> memref<4096xf32, #tpu.memory_space<hbm>>
          tpu.enqueue_dma source(%dma_start3A_32 : memref<4096xf32, #tpu.memory_space<hbm>>) target(%arg10 : memref<4096xf32, #tpu.memory_space<vmem>>) target_semaphore(%run_scoped3A : memref<!tpu.dma_semaphore, #tpu.memory_space<semaphore_mem>>)
          %dma_wait3A = tpu.memref_slice %arg4[%multiple_of3A] : memref<131072xf32, #tpu.memory_space<hbm>> -> memref<4096xf32, #tpu.memory_space<hbm>>
          %dma_wait3A_33 = tpu.memref_slice %arg4[%multiple_of3A] : memref<131072xf32, #tpu.memory_space<hbm>> -> memref<4096xf32, #tpu.memory_space<hbm>>
          tpu.wait_dma2 semaphore(%run_scoped3A : memref<!tpu.dma_semaphore, #tpu.memory_space<semaphore_mem>>) src(%dma_wait3A_33 : memref<4096xf32, #tpu.memory_space<hbm>>) dst(%arg10 : memref<4096xf32, #tpu.memory_space<vmem>>)
          tpu.yield
        }) : () -> ()
        "tpu.region"() ({
          %run_scoped3A = tpu.sem_alloc : memref<!tpu.dma_semaphore, #tpu.memory_space<semaphore_mem>>
          %dma_start3A = tpu.memref_slice %arg5[%multiple_of3A] : memref<131072xf32, #tpu.memory_space<hbm>> -> memref<4096xf32, #tpu.memory_space<hbm>>
          %dma_start3A_32 = tpu.memref_slice %arg5[%multiple_of3A] : memref<131072xf32, #tpu.memory_space<hbm>> -> memref<4096xf32, #tpu.memory_space<hbm>>
          tpu.enqueue_dma source(%dma_start3A_32 : memref<4096xf32, #tpu.memory_space<hbm>>) target(%arg11 : memref<4096xf32, #tpu.memory_space<vmem>>) target_semaphore(%run_scoped3A : memref<!tpu.dma_semaphore, #tpu.memory_space<semaphore_mem>>)
          %dma_wait3A = tpu.memref_slice %arg5[%multiple_of3A] : memref<131072xf32, #tpu.memory_space<hbm>> -> memref<4096xf32, #tpu.memory_space<hbm>>
          %dma_wait3A_33 = tpu.memref_slice %arg5[%multiple_of3A] : memref<131072xf32, #tpu.memory_space<hbm>> -> memref<4096xf32, #tpu.memory_space<hbm>>
          tpu.wait_dma2 semaphore(%run_scoped3A : memref<!tpu.dma_semaphore, #tpu.memory_space<semaphore_mem>>) src(%dma_wait3A_33 : memref<4096xf32, #tpu.memory_space<hbm>>) dst(%arg11 : memref<4096xf32, #tpu.memory_space<vmem>>)
          tpu.yield
        }) : () -> ()
        %scan3A_25 = arith.constant 2048 : i32
        %scan3A_26 = arith.constant 0 : i32
        %scan3A_27 = arith.constant 128 : i32
        %scan3A_28 = arith.addi %scan3A_26, %scan3A_27 : i32
        %scan3A_29 = arith.constant 1 : i32
        %scan3A_30 = scf.for %scan3A_32 = %scan3A_26 to %scan3A_28 step %scan3A_29 iter_args(%scan3A_33 = %scan3A_25) -> (i32)  : i32 {
          %mul3A_34 = arith.constant 16 : i32
          %mul3A_35 = arith.muli %scan3A_32, %mul3A_34 : i32
          %get3A_36 = arith.index_cast %mul3A_35 : i32 to index
          %get3A_37 = tpu.vector_load %arg7[%get3A_36] {strides = array<i32>} : memref<2064xi32, #tpu.memory_space<vmem>>, vector<16xi32>,
          %sub3A = vector.broadcast %multiple_of3A : i32 to vector<16xi32>
          %sub3A_38 = arith.subi %get3A_37, %sub3A : vector<16xi32>
          %ge3A = arith.constant 0 : i32
          %ge3A_39 = vector.broadcast %ge3A : i32 to vector<16xi32>
          %ge3A_40 = arith.cmpi sge, %sub3A_38, %ge3A_39 : vector<16xi32>
          %lt3A = arith.constant 4096 : i32
          %lt3A_41 = vector.broadcast %lt3A : i32 to vector<16xi32>
          %lt3A_42 = arith.cmpi slt, %sub3A_38, %lt3A_41 : vector<16xi32>
          %and3A_43 = arith.andi %ge3A_40, %lt3A_42 : vector<16xi1>
          %jit3A = arith.constant 0 : i32
          %jit3A_44 = arith.constant 4095 : i32
          %max3A = vector.broadcast %jit3A : i32 to vector<16xi32>
          %max3A_45 = arith.maxsi %max3A, %sub3A_38 : vector<16xi32>
          %min3A_46 = vector.broadcast %jit3A_44 : i32 to vector<16xi32>
          %min3A_47 = arith.minsi %min3A_46, %max3A_45 : vector<16xi32>
          %gather3A = tpu.vector_load_idx %arg9[%min3A_47] : memref<4096xf32, #tpu.memory_space<vmem>>[vector<16xi32>], vector<16xf32>,
          %gather3A_48 = tpu.vector_load_idx %arg10[%min3A_47] : memref<4096xf32, #tpu.memory_space<vmem>>[vector<16xi32>], vector<16xf32>,
          %gather3A_49 = tpu.vector_load_idx %arg11[%min3A_47] : memref<4096xf32, #tpu.memory_space<vmem>>[vector<16xi32>], vector<16xf32>,
          %mul3A_50 = arith.constant 3 : i32
          %mul3A_51 = arith.muli %mul3A_35, %mul3A_50 : i32
          %add3A_52 = vector.broadcast %mul3A_51 : i32 to vector<16xi32>
          %add3A_53 = arith.addi %mul3A_3, %add3A_52 : vector<16xi32>
          tpu.vector_store_idx %arg8[%add3A_53], %gather3A masked %and3A_43 : memref<6144xf32, #tpu.memory_space<vmem>>[vector<16xi32>], vector<16xf32>, vector<16xi1>
          %add3A_54 = arith.constant 1 : i32
          %add3A_55 = vector.broadcast %add3A_54 : i32 to vector<16xi32>
          %add3A_56 = arith.addi %add3A_53, %add3A_55 : vector<16xi32>
          tpu.vector_store_idx %arg8[%add3A_56], %gather3A_48 masked %and3A_43 : memref<6144xf32, #tpu.memory_space<vmem>>[vector<16xi32>], vector<16xf32>, vector<16xi1>
          %add3A_57 = arith.constant 2 : i32
          %add3A_58 = vector.broadcast %add3A_57 : i32 to vector<16xi32>
          %add3A_59 = arith.addi %add3A_53, %add3A_58 : vector<16xi32>
          tpu.vector_store_idx %arg8[%add3A_59], %gather3A_49 masked %and3A_43 : memref<6144xf32, #tpu.memory_space<vmem>>[vector<16xi32>], vector<16xf32>, vector<16xi1>
          %ge3A_60 = arith.constant 4096 : i32
          %ge3A_61 = vector.broadcast %ge3A_60 : i32 to vector<16xi32>
          %ge3A_62 = arith.cmpi sge, %sub3A_38, %ge3A_61 : vector<16xi32>
          %add3A_63 = vector.broadcast %mul3A_35 : i32 to vector<16xi32>
          %add3A_64 = arith.addi %iota3A, %add3A_63 : vector<16xi32>
          %jit3A_65 = arith.constant 2048 : i32
          %broadcast_in_dim3A = vector.broadcast %jit3A_65 : i32 to vector<16xi32>
          %select_n3A = arith.select %ge3A_62, %add3A_64, %broadcast_in_dim3A : vector<16xi1>, vector<16xi32>
          %reduce_min3A = arith.constant true
          %reduce_min3A_66 = vector.broadcast %reduce_min3A : i1 to vector<16xi1>
          %reduce_min3A_67 = arith.constant -2147483648 : i32
          %reduce_min3A_68 = vector.broadcast %reduce_min3A_67 : i32 to vector<16xi32>
          %reduce_min3A_69 = arith.xori %select_n3A, %reduce_min3A_68 : vector<16xi32>
          %reduce_min3A_70 = tpu.scan <min>, %reduce_min3A_69 masked %reduce_min3A_66 : vector<16xi32>, vector<16xi1> -> vector<16xi32>
          %reduce_min3A_71 = arith.xori %reduce_min3A_70, %reduce_min3A_68 : vector<16xi32>
          %reduce_min3A_72 = vector.extract %reduce_min3A_71[15] : i32 from vector<16xi32>
          %min3A_73 = arith.minsi %scan3A_33, %reduce_min3A_72 : i32
          scf.yield %min3A_73 : i32
        }
        %scan3A_31 = arith.constant 128 : i32
        scf.yield %scan3A_30 : i32
      }
      %mul3A_18 = arith.constant 3 : i32
      %mul3A_19 = arith.muli %mul3A_16, %mul3A_18 : i32
      "tpu.region"() ({
        %run_scoped3A = tpu.sem_alloc : memref<!tpu.dma_semaphore, #tpu.memory_space<semaphore_mem>>
        %dma_start3A = tpu.memref_slice %arg6[%mul3A_19] : memref<3145728xf32, #tpu.memory_space<hbm>> -> memref<6144xf32, #tpu.memory_space<hbm>>
        %dma_start3A_21 = tpu.memref_slice %arg6[%mul3A_19] : memref<3145728xf32, #tpu.memory_space<hbm>> -> memref<6144xf32, #tpu.memory_space<hbm>>
        tpu.enqueue_dma source(%arg8 : memref<6144xf32, #tpu.memory_space<vmem>>) target(%dma_start3A_21 : memref<6144xf32, #tpu.memory_space<hbm>>) target_semaphore(%run_scoped3A : memref<!tpu.dma_semaphore, #tpu.memory_space<semaphore_mem>>)
        %dma_wait3A = tpu.memref_slice %arg6[%mul3A_19] : memref<3145728xf32, #tpu.memory_space<hbm>> -> memref<6144xf32, #tpu.memory_space<hbm>>
        %dma_wait3A_22 = tpu.memref_slice %arg6[%mul3A_19] : memref<3145728xf32, #tpu.memory_space<hbm>> -> memref<6144xf32, #tpu.memory_space<hbm>>
        tpu.wait_dma2 semaphore(%run_scoped3A : memref<!tpu.dma_semaphore, #tpu.memory_space<semaphore_mem>>) src(%arg8 : memref<6144xf32, #tpu.memory_space<vmem>>) dst(%dma_wait3A_22 : memref<6144xf32, #tpu.memory_space<hbm>>)
        tpu.yield
      }) : () -> ()
      %scan3A_20 = arith.constant 0 : i32
      scf.yield %scan3A_20 : i32
    }
    %scan3A_9 = arith.constant 16 : i32
    return
  }
}

#map = affine_map<(d0, d1) -> (0)>
module attributes {stable_mosaic.version = 14 : i64} {
  func.func @argmin_kernel(%arg0: i32, %arg1: i32, %arg2: memref<3145728xf32, #tpu.memory_space<hbm>>, %arg3: memref<1048576xi32, #tpu.memory_space<hbm>>, %arg4: memref<1048576xf32, #tpu.memory_space<hbm>>, %arg5: memref<64xi32, #tpu.memory_space<hbm>>, %arg6: memref<393216xf32, #tpu.memory_space<hbm>>, %arg7: memref<131072xi32, #tpu.memory_space<hbm>>, %arg8: memref<2048xi32, #tpu.memory_space<vmem>>, %arg9: memref<2048xf32, #tpu.memory_space<vmem>>, %arg10: memref<4096xf32, #tpu.memory_space<vmem>>, %arg11: memref<4096xi32, #tpu.memory_space<vmem>>, %arg12: memref<16xf32, #tpu.memory_space<vmem>>, %arg13: memref<16xi32, #tpu.memory_space<vmem>>, %arg14: memref<16xi32, #tpu.memory_space<vmem>>, %arg15: memref<12288xf32, #tpu.memory_space<vmem>>, %arg16: memref<49152xf32, #tpu.memory_space<vmem>>, %arg17: memref<64xi32, #tpu.memory_space<vmem>>) attributes {dimension_semantics = [#tpu.dimension_semantics<core_parallel>, #tpu.dimension_semantics<subcore_parallel>], iteration_bounds = array<i64: 2, 16>, scalar_prefetch = 0 : i64, scratch_operands = 10 : i64, tpu.core_type = #tpu.core_type<sc_vector_subcore>, window_params = [{transform_indices = #map}, {transform_indices = #map}, {transform_indices = #map}, {transform_indices = #map}, {transform_indices = #map}, {transform_indices = #map}]} {
    %mul3A = arith.constant 2 : i32
    %mul3A_0 = arith.muli %arg1, %mul3A : i32
    %add3A = arith.addi %mul3A_0, %arg0 : i32
    %mul3A_1 = arith.constant 4096 : i32
    %mul3A_2 = arith.muli %add3A, %mul3A_1 : i32
    %iota3A = tpu.iota {dimensions = array<i32: 0>} : vector<16xi32>
    %sub3A = arith.constant 1 : i32
    %sub3A_3 = vector.broadcast %sub3A : i32 to vector<16xi32>
    %sub3A_4 = arith.subi %iota3A, %sub3A_3 : vector<16xi32>
    %max3A = arith.constant 0 : i32
    %max3A_5 = vector.broadcast %max3A : i32 to vector<16xi32>
    %max3A_6 = arith.maxsi %sub3A_4, %max3A_5 : vector<16xi32>
    %sub3A_7 = arith.constant 2 : i32
    %sub3A_8 = vector.broadcast %sub3A_7 : i32 to vector<16xi32>
    %sub3A_9 = arith.subi %iota3A, %sub3A_8 : vector<16xi32>
    %max3A_10 = arith.constant 0 : i32
    %max3A_11 = vector.broadcast %max3A_10 : i32 to vector<16xi32>
    %max3A_12 = arith.maxsi %sub3A_9, %max3A_11 : vector<16xi32>
    %sub3A_13 = arith.constant 4 : i32
    %sub3A_14 = vector.broadcast %sub3A_13 : i32 to vector<16xi32>
    %sub3A_15 = arith.subi %iota3A, %sub3A_14 : vector<16xi32>
    %max3A_16 = arith.constant 0 : i32
    %max3A_17 = vector.broadcast %max3A_16 : i32 to vector<16xi32>
    %max3A_18 = arith.maxsi %sub3A_15, %max3A_17 : vector<16xi32>
    %sub3A_19 = arith.constant 8 : i32
    %sub3A_20 = vector.broadcast %sub3A_19 : i32 to vector<16xi32>
    %sub3A_21 = arith.subi %iota3A, %sub3A_20 : vector<16xi32>
    %max3A_22 = arith.constant 0 : i32
    %max3A_23 = vector.broadcast %max3A_22 : i32 to vector<16xi32>
    %max3A_24 = arith.maxsi %sub3A_21, %max3A_23 : vector<16xi32>
    %broadcast_in_dim3A = arith.constant 0.000000e+00 : f32
    %broadcast_in_dim3A_25 = vector.broadcast %broadcast_in_dim3A : f32 to vector<16xf32>
    %add3A_26 = arith.constant 0x7F800000 : f32
    %add3A_27 = vector.broadcast %add3A_26 : f32 to vector<16xf32>
    %add3A_28 = arith.addf %broadcast_in_dim3A_25, %add3A_27 : vector<16xf32>
    %mul3A_29 = arith.constant 0 : i32
    %mul3A_30 = vector.broadcast %mul3A_29 : i32 to vector<16xi32>
    %mul3A_31 = arith.muli %iota3A, %mul3A_30 : vector<16xi32>
    %add3A_32 = arith.constant -2147483648 : i32
    %add3A_33 = vector.broadcast %add3A_32 : i32 to vector<16xi32>
    %add3A_34 = arith.addi %mul3A_31, %add3A_33 : vector<16xi32>
    "tpu.region"() ({
      %run_scoped3A = tpu.sem_alloc : memref<!tpu.dma_semaphore, #tpu.memory_space<semaphore_mem>>
      tpu.enqueue_dma source(%arg5 : memref<64xi32, #tpu.memory_space<hbm>>) target(%arg17 : memref<64xi32, #tpu.memory_space<vmem>>) target_semaphore(%run_scoped3A : memref<!tpu.dma_semaphore, #tpu.memory_space<semaphore_mem>>)
      tpu.wait_dma2 semaphore(%run_scoped3A : memref<!tpu.dma_semaphore, #tpu.memory_space<semaphore_mem>>) src(%arg5 : memref<64xi32, #tpu.memory_space<hbm>>) dst(%arg17 : memref<64xi32, #tpu.memory_space<vmem>>)
      tpu.yield
    }) : () -> ()
    %get3A = arith.index_cast %add3A : i32 to index
    %get3A_35 = tpu.vector_load %arg17[%get3A] {strides = array<i32>} : memref<64xi32, #tpu.memory_space<vmem>>, vector<16xi32>,
    %slice3A = vector.extract_strided_slice %get3A_35 {offsets = [0], sizes = [1], strides = [1]} : vector<16xi32> to vector<1xi32>
    %squeeze3A = vector.extract %slice3A[0] : i32 from vector<1xi32>
    %slice3A_36 = vector.extract_strided_slice %get3A_35 {offsets = [1], sizes = [1], strides = [1]} : vector<16xi32> to vector<1xi32>
    %squeeze3A_37 = vector.extract %slice3A_36[0] : i32 from vector<1xi32>
    %shift_right_logical3A = arith.constant 11 : i32
    %shift_right_logical3A_38 = arith.shrui %squeeze3A, %shift_right_logical3A : i32
    %add3A_39 = arith.constant 2047 : i32
    %add3A_40 = arith.addi %squeeze3A_37, %add3A_39 : i32
    %shift_right_logical3A_41 = arith.constant 11 : i32
    %shift_right_logical3A_42 = arith.shrui %add3A_40, %shift_right_logical3A_41 : i32
    %scan3A = arith.constant 0 : i32
    %scan3A_43 = arith.constant 0 : i32
    %scan3A_44 = arith.constant 256 : i32
    %scan3A_45 = arith.addi %scan3A_43, %scan3A_44 : i32
    %scan3A_46 = arith.constant 1 : i32
    %scan3A_47 = scf.for %scan3A_63 = %scan3A_43 to %scan3A_45 step %scan3A_46 iter_args(%scan3A_64 = %scan3A) -> (i32)  : i32 {
      %mul3A_65 = arith.constant 16 : i32
      %mul3A_66 = arith.muli %scan3A_63, %mul3A_65 : i32
      %swap3A = arith.index_cast %mul3A_66 : i32 to index
      %swap3A_67 = tpu.vector_load %arg10[%swap3A] {strides = array<i32>} : memref<4096xf32, #tpu.memory_space<vmem>>, vector<16xf32>,
      tpu.vector_store %arg10[%swap3A], %add3A_28 {strides = array<i32>} : memref<4096xf32, #tpu.memory_space<vmem>>, vector<16xf32>,
      %swap3A_68 = arith.index_cast %mul3A_66 : i32 to index
      %swap3A_69 = tpu.vector_load %arg11[%swap3A_68] {strides = array<i32>} : memref<4096xi32, #tpu.memory_space<vmem>>, vector<16xi32>,
      tpu.vector_store %arg11[%swap3A_68], %add3A_34 {strides = array<i32>} : memref<4096xi32, #tpu.memory_space<vmem>>, vector<16xi32>,
      %scan3A_70 = arith.constant 0 : i32
      scf.yield %scan3A_70 : i32
    }
    %scan3A_48 = arith.constant 256 : i32
    %while3A = arith.constant 0 : i32
    %while3A_49 = arith.subi %shift_right_logical3A_42, %shift_right_logical3A_38 : i32
    %while3A_50 = arith.addi %shift_right_logical3A_38, %while3A_49 : i32
    %while3A_51 = arith.constant 1 : i32
    %while3A_52 = arith.divsi %while3A_49, %while3A_51 : i32
    %while3A_53 = arith.muli %while3A_52, %while3A_51 : i32
    %while3A_54 = arith.addi %shift_right_logical3A_38, %while3A_53 : i32
    %while3A_55 = arith.constant 1 : i32
    %while3A_56 = scf.for %while3A_63 = %shift_right_logical3A_38 to %while3A_54 step %while3A_55 iter_args(%while3A_64 = %while3A) -> (i32)  : i32 {
      %mul3A_65 = arith.constant 2048 : i32
      %mul3A_66 = arith.muli %while3A_63, %mul3A_65 : i32
      "tpu.region"() ({
        %run_scoped3A = tpu.sem_alloc : memref<!tpu.dma_semaphore, #tpu.memory_space<semaphore_mem>>
        %dma_start3A = tpu.memref_slice %arg3[%mul3A_66] : memref<1048576xi32, #tpu.memory_space<hbm>> -> memref<2048xi32, #tpu.memory_space<hbm>>
        %dma_start3A_75 = tpu.memref_slice %arg3[%mul3A_66] : memref<1048576xi32, #tpu.memory_space<hbm>> -> memref<2048xi32, #tpu.memory_space<hbm>>
        tpu.enqueue_dma source(%dma_start3A_75 : memref<2048xi32, #tpu.memory_space<hbm>>) target(%arg8 : memref<2048xi32, #tpu.memory_space<vmem>>) target_semaphore(%run_scoped3A : memref<!tpu.dma_semaphore, #tpu.memory_space<semaphore_mem>>)
        %dma_wait3A = tpu.memref_slice %arg3[%mul3A_66] : memref<1048576xi32, #tpu.memory_space<hbm>> -> memref<2048xi32, #tpu.memory_space<hbm>>
        %dma_wait3A_76 = tpu.memref_slice %arg3[%mul3A_66] : memref<1048576xi32, #tpu.memory_space<hbm>> -> memref<2048xi32, #tpu.memory_space<hbm>>
        tpu.wait_dma2 semaphore(%run_scoped3A : memref<!tpu.dma_semaphore, #tpu.memory_space<semaphore_mem>>) src(%dma_wait3A_76 : memref<2048xi32, #tpu.memory_space<hbm>>) dst(%arg8 : memref<2048xi32, #tpu.memory_space<vmem>>)
        tpu.yield
      }) : () -> ()
      "tpu.region"() ({
        %run_scoped3A = tpu.sem_alloc : memref<!tpu.dma_semaphore, #tpu.memory_space<semaphore_mem>>
        %dma_start3A = tpu.memref_slice %arg4[%mul3A_66] : memref<1048576xf32, #tpu.memory_space<hbm>> -> memref<2048xf32, #tpu.memory_space<hbm>>
        %dma_start3A_75 = tpu.memref_slice %arg4[%mul3A_66] : memref<1048576xf32, #tpu.memory_space<hbm>> -> memref<2048xf32, #tpu.memory_space<hbm>>
        tpu.enqueue_dma source(%dma_start3A_75 : memref<2048xf32, #tpu.memory_space<hbm>>) target(%arg9 : memref<2048xf32, #tpu.memory_space<vmem>>) target_semaphore(%run_scoped3A : memref<!tpu.dma_semaphore, #tpu.memory_space<semaphore_mem>>)
        %dma_wait3A = tpu.memref_slice %arg4[%mul3A_66] : memref<1048576xf32, #tpu.memory_space<hbm>> -> memref<2048xf32, #tpu.memory_space<hbm>>
        %dma_wait3A_76 = tpu.memref_slice %arg4[%mul3A_66] : memref<1048576xf32, #tpu.memory_space<hbm>> -> memref<2048xf32, #tpu.memory_space<hbm>>
        tpu.wait_dma2 semaphore(%run_scoped3A : memref<!tpu.dma_semaphore, #tpu.memory_space<semaphore_mem>>) src(%dma_wait3A_76 : memref<2048xf32, #tpu.memory_space<hbm>>) dst(%arg9 : memref<2048xf32, #tpu.memory_space<vmem>>)
        tpu.yield
      }) : () -> ()
      %scan3A_67 = arith.constant 0 : i32
      %scan3A_68 = arith.constant 0 : i32
      %scan3A_69 = arith.constant 128 : i32
      %scan3A_70 = arith.addi %scan3A_68, %scan3A_69 : i32
      %scan3A_71 = arith.constant 1 : i32
      %scan3A_72 = scf.for %scan3A_75 = %scan3A_68 to %scan3A_70 step %scan3A_71 iter_args(%scan3A_76 = %scan3A_67) -> (i32)  : i32 {
        %mul3A_77 = arith.constant 16 : i32
        %mul3A_78 = arith.muli %scan3A_75, %mul3A_77 : i32
        %get3A_79 = arith.index_cast %mul3A_78 : i32 to index
        %get3A_80 = tpu.vector_load %arg8[%get3A_79] {strides = array<i32>} : memref<2048xi32, #tpu.memory_space<vmem>>, vector<16xi32>,
        %sub3A_81 = vector.broadcast %mul3A_2 : i32 to vector<16xi32>
        %sub3A_82 = arith.subi %get3A_80, %sub3A_81 : vector<16xi32>
        %ge3A = arith.constant 0 : i32
        %ge3A_83 = vector.broadcast %ge3A : i32 to vector<16xi32>
        %ge3A_84 = arith.cmpi sge, %sub3A_82, %ge3A_83 : vector<16xi32>
        %lt3A = arith.constant 4096 : i32
        %lt3A_85 = vector.broadcast %lt3A : i32 to vector<16xi32>
        %lt3A_86 = arith.cmpi slt, %sub3A_82, %lt3A_85 : vector<16xi32>
        %and3A_87 = arith.andi %ge3A_84, %lt3A_86 : vector<16xi1>
        %jit3A = arith.constant 0 : i32
        %jit3A_88 = arith.constant 4095 : i32
        %max3A_89 = vector.broadcast %jit3A : i32 to vector<16xi32>
        %max3A_90 = arith.maxsi %max3A_89, %sub3A_82 : vector<16xi32>
        %min3A = vector.broadcast %jit3A_88 : i32 to vector<16xi32>
        %min3A_91 = arith.minsi %min3A, %max3A_90 : vector<16xi32>
        %get3A_92 = arith.index_cast %mul3A_78 : i32 to index
        %get3A_93 = tpu.vector_load %arg9[%get3A_92] {strides = array<i32>} : memref<2048xf32, #tpu.memory_space<vmem>>, vector<16xf32>,
        %add3A_94 = arith.addi %mul3A_66, %mul3A_78 : i32
        %add3A_95 = vector.broadcast %add3A_94 : i32 to vector<16xi32>
        %add3A_96 = arith.addi %add3A_95, %iota3A : vector<16xi32>
        %broadcast_in_dim3A_97 = arith.constant true
        %broadcast_in_dim3A_98 = vector.broadcast %broadcast_in_dim3A_97 : i1 to vector<16xi1>
        %unique3A, %unique3A_99 = tpu.scan_count mask(%broadcast_in_dim3A_98 : vector<16xi1>) value(%get3A_80 : vector<16xi32>) : vector<16xi1>, vector<16xi32>
        %swap3A = arith.constant 0 : index
        %swap3A_100 = tpu.vector_load %arg14[%swap3A] {strides = array<i32>} : memref<16xi32, #tpu.memory_space<vmem>>, vector<16xi32>,
        tpu.vector_store %arg14[%swap3A], %get3A_80 {strides = array<i32>} : memref<16xi32, #tpu.memory_space<vmem>>, vector<16xi32>,
        %swap3A_101 = arith.constant 0 : index
        %swap3A_102 = tpu.vector_load %arg12[%swap3A_101] {strides = array<i32>} : memref<16xf32, #tpu.memory_space<vmem>>, vector<16xf32>,
        tpu.vector_store %arg12[%swap3A_101], %get3A_93 {strides = array<i32>} : memref<16xf32, #tpu.memory_space<vmem>>, vector<16xf32>,
        %swap3A_103 = arith.constant 0 : index
        %swap3A_104 = tpu.vector_load %arg13[%swap3A_103] {strides = array<i32>} : memref<16xi32, #tpu.memory_space<vmem>>, vector<16xi32>,
        tpu.vector_store %arg13[%swap3A_103], %add3A_96 {strides = array<i32>} : memref<16xi32, #tpu.memory_space<vmem>>, vector<16xi32>,
        %gather3A = tpu.vector_load_idx %arg14[%max3A_6] : memref<16xi32, #tpu.memory_space<vmem>>[vector<16xi32>], vector<16xi32>,
        %gather3A_105 = tpu.vector_load_idx %arg12[%max3A_6] : memref<16xf32, #tpu.memory_space<vmem>>[vector<16xi32>], vector<16xf32>,
        %gather3A_106 = tpu.vector_load_idx %arg13[%max3A_6] : memref<16xi32, #tpu.memory_space<vmem>>[vector<16xi32>], vector<16xi32>,
        %eq3A = arith.cmpi eq, %gather3A, %get3A_80 : vector<16xi32>
        %lt3A_107 = arith.cmpf olt, %gather3A_105, %get3A_93 : vector<16xf32>
        %and3A_108 = arith.andi %eq3A, %lt3A_107 : vector<16xi1>
        %select_n3A = arith.select %and3A_108, %gather3A_105, %get3A_93 : vector<16xi1>, vector<16xf32>
        %select_n3A_109 = arith.select %and3A_108, %gather3A_106, %add3A_96 : vector<16xi1>, vector<16xi32>
        %swap3A_110 = arith.constant 0 : index
        %swap3A_111 = tpu.vector_load %arg12[%swap3A_110] {strides = array<i32>} : memref<16xf32, #tpu.memory_space<vmem>>, vector<16xf32>,
        tpu.vector_store %arg12[%swap3A_110], %select_n3A {strides = array<i32>} : memref<16xf32, #tpu.memory_space<vmem>>, vector<16xf32>,
        %swap3A_112 = arith.constant 0 : index
        %swap3A_113 = tpu.vector_load %arg13[%swap3A_112] {strides = array<i32>} : memref<16xi32, #tpu.memory_space<vmem>>, vector<16xi32>,
        tpu.vector_store %arg13[%swap3A_112], %select_n3A_109 {strides = array<i32>} : memref<16xi32, #tpu.memory_space<vmem>>, vector<16xi32>,
        %gather3A_114 = tpu.vector_load_idx %arg14[%max3A_12] : memref<16xi32, #tpu.memory_space<vmem>>[vector<16xi32>], vector<16xi32>,
        %gather3A_115 = tpu.vector_load_idx %arg12[%max3A_12] : memref<16xf32, #tpu.memory_space<vmem>>[vector<16xi32>], vector<16xf32>,
        %gather3A_116 = tpu.vector_load_idx %arg13[%max3A_12] : memref<16xi32, #tpu.memory_space<vmem>>[vector<16xi32>], vector<16xi32>,
        %eq3A_117 = arith.cmpi eq, %gather3A_114, %get3A_80 : vector<16xi32>
        %lt3A_118 = arith.cmpf olt, %gather3A_115, %select_n3A : vector<16xf32>
        %and3A_119 = arith.andi %eq3A_117, %lt3A_118 : vector<16xi1>
        %select_n3A_120 = arith.select %and3A_119, %gather3A_115, %select_n3A : vector<16xi1>, vector<16xf32>
        %select_n3A_121 = arith.select %and3A_119, %gather3A_116, %select_n3A_109 : vector<16xi1>, vector<16xi32>
        %swap3A_122 = arith.constant 0 : index
        %swap3A_123 = tpu.vector_load %arg12[%swap3A_122] {strides = array<i32>} : memref<16xf32, #tpu.memory_space<vmem>>, vector<16xf32>,
        tpu.vector_store %arg12[%swap3A_122], %select_n3A_120 {strides = array<i32>} : memref<16xf32, #tpu.memory_space<vmem>>, vector<16xf32>,
        %swap3A_124 = arith.constant 0 : index
        %swap3A_125 = tpu.vector_load %arg13[%swap3A_124] {strides = array<i32>} : memref<16xi32, #tpu.memory_space<vmem>>, vector<16xi32>,
        tpu.vector_store %arg13[%swap3A_124], %select_n3A_121 {strides = array<i32>} : memref<16xi32, #tpu.memory_space<vmem>>, vector<16xi32>,
        %gather3A_126 = tpu.vector_load_idx %arg14[%max3A_18] : memref<16xi32, #tpu.memory_space<vmem>>[vector<16xi32>], vector<16xi32>,
        %gather3A_127 = tpu.vector_load_idx %arg12[%max3A_18] : memref<16xf32, #tpu.memory_space<vmem>>[vector<16xi32>], vector<16xf32>,
        %gather3A_128 = tpu.vector_load_idx %arg13[%max3A_18] : memref<16xi32, #tpu.memory_space<vmem>>[vector<16xi32>], vector<16xi32>,
        %eq3A_129 = arith.cmpi eq, %gather3A_126, %get3A_80 : vector<16xi32>
        %lt3A_130 = arith.cmpf olt, %gather3A_127, %select_n3A_120 : vector<16xf32>
        %and3A_131 = arith.andi %eq3A_129, %lt3A_130 : vector<16xi1>
        %select_n3A_132 = arith.select %and3A_131, %gather3A_127, %select_n3A_120 : vector<16xi1>, vector<16xf32>
        %select_n3A_133 = arith.select %and3A_131, %gather3A_128, %select_n3A_121 : vector<16xi1>, vector<16xi32>
        %swap3A_134 = arith.constant 0 : index
        %swap3A_135 = tpu.vector_load %arg12[%swap3A_134] {strides = array<i32>} : memref<16xf32, #tpu.memory_space<vmem>>, vector<16xf32>,
        tpu.vector_store %arg12[%swap3A_134], %select_n3A_132 {strides = array<i32>} : memref<16xf32, #tpu.memory_space<vmem>>, vector<16xf32>,
        %swap3A_136 = arith.constant 0 : index
        %swap3A_137 = tpu.vector_load %arg13[%swap3A_136] {strides = array<i32>} : memref<16xi32, #tpu.memory_space<vmem>>, vector<16xi32>,
        tpu.vector_store %arg13[%swap3A_136], %select_n3A_133 {strides = array<i32>} : memref<16xi32, #tpu.memory_space<vmem>>, vector<16xi32>,
        %gather3A_138 = tpu.vector_load_idx %arg14[%max3A_24] : memref<16xi32, #tpu.memory_space<vmem>>[vector<16xi32>], vector<16xi32>,
        %gather3A_139 = tpu.vector_load_idx %arg12[%max3A_24] : memref<16xf32, #tpu.memory_space<vmem>>[vector<16xi32>], vector<16xf32>,
        %gather3A_140 = tpu.vector_load_idx %arg13[%max3A_24] : memref<16xi32, #tpu.memory_space<vmem>>[vector<16xi32>], vector<16xi32>,
        %eq3A_141 = arith.cmpi eq, %gather3A_138, %get3A_80 : vector<16xi32>
        %lt3A_142 = arith.cmpf olt, %gather3A_139, %select_n3A_132 : vector<16xf32>
        %and3A_143 = arith.andi %eq3A_141, %lt3A_142 : vector<16xi1>
        %select_n3A_144 = arith.select %and3A_143, %gather3A_139, %select_n3A_132 : vector<16xi1>, vector<16xf32>
        %select_n3A_145 = arith.select %and3A_143, %gather3A_140, %select_n3A_133 : vector<16xi1>, vector<16xi32>
        %and3A_146 = arith.andi %unique3A, %and3A_87 : vector<16xi1>
        %gather3A_147 = tpu.vector_load_idx %arg10[%min3A_91] : memref<4096xf32, #tpu.memory_space<vmem>>[vector<16xi32>], vector<16xf32>,
        %gather3A_148 = tpu.vector_load_idx %arg11[%min3A_91] : memref<4096xi32, #tpu.memory_space<vmem>>[vector<16xi32>], vector<16xi32>,
        %le3A = arith.cmpf ole, %select_n3A_144, %gather3A_147 : vector<16xf32>
        %select_n3A_149 = arith.select %le3A, %select_n3A_144, %gather3A_147 : vector<16xi1>, vector<16xf32>
        %select_n3A_150 = arith.select %le3A, %select_n3A_145, %gather3A_148 : vector<16xi1>, vector<16xi32>
        tpu.vector_store_idx %arg10[%min3A_91], %select_n3A_149 masked %and3A_146 : memref<4096xf32, #tpu.memory_space<vmem>>[vector<16xi32>], vector<16xf32>, vector<16xi1>
        tpu.vector_store_idx %arg11[%min3A_91], %select_n3A_150 masked %and3A_146 : memref<4096xi32, #tpu.memory_space<vmem>>[vector<16xi32>], vector<16xi32>, vector<16xi1>
        %scan3A_151 = arith.constant 0 : i32
        scf.yield %scan3A_151 : i32
      }
      %scan3A_73 = arith.constant 128 : i32
      %while3A_74 = arith.constant 0 : i32
      scf.yield %while3A_74 : i32
    }
    %while3A_57 = arith.constant 1 : i32
    %while3A_58 = scf.for %while3A_63 = %while3A_54 to %while3A_50 step %while3A_57 iter_args(%while3A_64 = %while3A_56) -> (i32)  : i32 {
      %mul3A_65 = arith.constant 2048 : i32
      %mul3A_66 = arith.muli %while3A_63, %mul3A_65 : i32
      "tpu.region"() ({
        %run_scoped3A = tpu.sem_alloc : memref<!tpu.dma_semaphore, #tpu.memory_space<semaphore_mem>>
        %dma_start3A = tpu.memref_slice %arg3[%mul3A_66] : memref<1048576xi32, #tpu.memory_space<hbm>> -> memref<2048xi32, #tpu.memory_space<hbm>>
        %dma_start3A_75 = tpu.memref_slice %arg3[%mul3A_66] : memref<1048576xi32, #tpu.memory_space<hbm>> -> memref<2048xi32, #tpu.memory_space<hbm>>
        tpu.enqueue_dma source(%dma_start3A_75 : memref<2048xi32, #tpu.memory_space<hbm>>) target(%arg8 : memref<2048xi32, #tpu.memory_space<vmem>>) target_semaphore(%run_scoped3A : memref<!tpu.dma_semaphore, #tpu.memory_space<semaphore_mem>>)
        %dma_wait3A = tpu.memref_slice %arg3[%mul3A_66] : memref<1048576xi32, #tpu.memory_space<hbm>> -> memref<2048xi32, #tpu.memory_space<hbm>>
        %dma_wait3A_76 = tpu.memref_slice %arg3[%mul3A_66] : memref<1048576xi32, #tpu.memory_space<hbm>> -> memref<2048xi32, #tpu.memory_space<hbm>>
        tpu.wait_dma2 semaphore(%run_scoped3A : memref<!tpu.dma_semaphore, #tpu.memory_space<semaphore_mem>>) src(%dma_wait3A_76 : memref<2048xi32, #tpu.memory_space<hbm>>) dst(%arg8 : memref<2048xi32, #tpu.memory_space<vmem>>)
        tpu.yield
      }) : () -> ()
      "tpu.region"() ({
        %run_scoped3A = tpu.sem_alloc : memref<!tpu.dma_semaphore, #tpu.memory_space<semaphore_mem>>
        %dma_start3A = tpu.memref_slice %arg4[%mul3A_66] : memref<1048576xf32, #tpu.memory_space<hbm>> -> memref<2048xf32, #tpu.memory_space<hbm>>
        %dma_start3A_75 = tpu.memref_slice %arg4[%mul3A_66] : memref<1048576xf32, #tpu.memory_space<hbm>> -> memref<2048xf32, #tpu.memory_space<hbm>>
        tpu.enqueue_dma source(%dma_start3A_75 : memref<2048xf32, #tpu.memory_space<hbm>>) target(%arg9 : memref<2048xf32, #tpu.memory_space<vmem>>) target_semaphore(%run_scoped3A : memref<!tpu.dma_semaphore, #tpu.memory_space<semaphore_mem>>)
        %dma_wait3A = tpu.memref_slice %arg4[%mul3A_66] : memref<1048576xf32, #tpu.memory_space<hbm>> -> memref<2048xf32, #tpu.memory_space<hbm>>
        %dma_wait3A_76 = tpu.memref_slice %arg4[%mul3A_66] : memref<1048576xf32, #tpu.memory_space<hbm>> -> memref<2048xf32, #tpu.memory_space<hbm>>
        tpu.wait_dma2 semaphore(%run_scoped3A : memref<!tpu.dma_semaphore, #tpu.memory_space<semaphore_mem>>) src(%dma_wait3A_76 : memref<2048xf32, #tpu.memory_space<hbm>>) dst(%arg9 : memref<2048xf32, #tpu.memory_space<vmem>>)
        tpu.yield
      }) : () -> ()
      %scan3A_67 = arith.constant 0 : i32
      %scan3A_68 = arith.constant 0 : i32
      %scan3A_69 = arith.constant 128 : i32
      %scan3A_70 = arith.addi %scan3A_68, %scan3A_69 : i32
      %scan3A_71 = arith.constant 1 : i32
      %scan3A_72 = scf.for %scan3A_75 = %scan3A_68 to %scan3A_70 step %scan3A_71 iter_args(%scan3A_76 = %scan3A_67) -> (i32)  : i32 {
        %mul3A_77 = arith.constant 16 : i32
        %mul3A_78 = arith.muli %scan3A_75, %mul3A_77 : i32
        %get3A_79 = arith.index_cast %mul3A_78 : i32 to index
        %get3A_80 = tpu.vector_load %arg8[%get3A_79] {strides = array<i32>} : memref<2048xi32, #tpu.memory_space<vmem>>, vector<16xi32>,
        %sub3A_81 = vector.broadcast %mul3A_2 : i32 to vector<16xi32>
        %sub3A_82 = arith.subi %get3A_80, %sub3A_81 : vector<16xi32>
        %ge3A = arith.constant 0 : i32
        %ge3A_83 = vector.broadcast %ge3A : i32 to vector<16xi32>
        %ge3A_84 = arith.cmpi sge, %sub3A_82, %ge3A_83 : vector<16xi32>
        %lt3A = arith.constant 4096 : i32
        %lt3A_85 = vector.broadcast %lt3A : i32 to vector<16xi32>
        %lt3A_86 = arith.cmpi slt, %sub3A_82, %lt3A_85 : vector<16xi32>
        %and3A_87 = arith.andi %ge3A_84, %lt3A_86 : vector<16xi1>
        %jit3A = arith.constant 0 : i32
        %jit3A_88 = arith.constant 4095 : i32
        %max3A_89 = vector.broadcast %jit3A : i32 to vector<16xi32>
        %max3A_90 = arith.maxsi %max3A_89, %sub3A_82 : vector<16xi32>
        %min3A = vector.broadcast %jit3A_88 : i32 to vector<16xi32>
        %min3A_91 = arith.minsi %min3A, %max3A_90 : vector<16xi32>
        %get3A_92 = arith.index_cast %mul3A_78 : i32 to index
        %get3A_93 = tpu.vector_load %arg9[%get3A_92] {strides = array<i32>} : memref<2048xf32, #tpu.memory_space<vmem>>, vector<16xf32>,
        %add3A_94 = arith.addi %mul3A_66, %mul3A_78 : i32
        %add3A_95 = vector.broadcast %add3A_94 : i32 to vector<16xi32>
        %add3A_96 = arith.addi %add3A_95, %iota3A : vector<16xi32>
        %broadcast_in_dim3A_97 = arith.constant true
        %broadcast_in_dim3A_98 = vector.broadcast %broadcast_in_dim3A_97 : i1 to vector<16xi1>
        %unique3A, %unique3A_99 = tpu.scan_count mask(%broadcast_in_dim3A_98 : vector<16xi1>) value(%get3A_80 : vector<16xi32>) : vector<16xi1>, vector<16xi32>
        %swap3A = arith.constant 0 : index
        %swap3A_100 = tpu.vector_load %arg14[%swap3A] {strides = array<i32>} : memref<16xi32, #tpu.memory_space<vmem>>, vector<16xi32>,
        tpu.vector_store %arg14[%swap3A], %get3A_80 {strides = array<i32>} : memref<16xi32, #tpu.memory_space<vmem>>, vector<16xi32>,
        %swap3A_101 = arith.constant 0 : index
        %swap3A_102 = tpu.vector_load %arg12[%swap3A_101] {strides = array<i32>} : memref<16xf32, #tpu.memory_space<vmem>>, vector<16xf32>,
        tpu.vector_store %arg12[%swap3A_101], %get3A_93 {strides = array<i32>} : memref<16xf32, #tpu.memory_space<vmem>>, vector<16xf32>,
        %swap3A_103 = arith.constant 0 : index
        %swap3A_104 = tpu.vector_load %arg13[%swap3A_103] {strides = array<i32>} : memref<16xi32, #tpu.memory_space<vmem>>, vector<16xi32>,
        tpu.vector_store %arg13[%swap3A_103], %add3A_96 {strides = array<i32>} : memref<16xi32, #tpu.memory_space<vmem>>, vector<16xi32>,
        %gather3A = tpu.vector_load_idx %arg14[%max3A_6] : memref<16xi32, #tpu.memory_space<vmem>>[vector<16xi32>], vector<16xi32>,
        %gather3A_105 = tpu.vector_load_idx %arg12[%max3A_6] : memref<16xf32, #tpu.memory_space<vmem>>[vector<16xi32>], vector<16xf32>,
        %gather3A_106 = tpu.vector_load_idx %arg13[%max3A_6] : memref<16xi32, #tpu.memory_space<vmem>>[vector<16xi32>], vector<16xi32>,
        %eq3A = arith.cmpi eq, %gather3A, %get3A_80 : vector<16xi32>
        %lt3A_107 = arith.cmpf olt, %gather3A_105, %get3A_93 : vector<16xf32>
        %and3A_108 = arith.andi %eq3A, %lt3A_107 : vector<16xi1>
        %select_n3A = arith.select %and3A_108, %gather3A_105, %get3A_93 : vector<16xi1>, vector<16xf32>
        %select_n3A_109 = arith.select %and3A_108, %gather3A_106, %add3A_96 : vector<16xi1>, vector<16xi32>
        %swap3A_110 = arith.constant 0 : index
        %swap3A_111 = tpu.vector_load %arg12[%swap3A_110] {strides = array<i32>} : memref<16xf32, #tpu.memory_space<vmem>>, vector<16xf32>,
        tpu.vector_store %arg12[%swap3A_110], %select_n3A {strides = array<i32>} : memref<16xf32, #tpu.memory_space<vmem>>, vector<16xf32>,
        %swap3A_112 = arith.constant 0 : index
        %swap3A_113 = tpu.vector_load %arg13[%swap3A_112] {strides = array<i32>} : memref<16xi32, #tpu.memory_space<vmem>>, vector<16xi32>,
        tpu.vector_store %arg13[%swap3A_112], %select_n3A_109 {strides = array<i32>} : memref<16xi32, #tpu.memory_space<vmem>>, vector<16xi32>,
        %gather3A_114 = tpu.vector_load_idx %arg14[%max3A_12] : memref<16xi32, #tpu.memory_space<vmem>>[vector<16xi32>], vector<16xi32>,
        %gather3A_115 = tpu.vector_load_idx %arg12[%max3A_12] : memref<16xf32, #tpu.memory_space<vmem>>[vector<16xi32>], vector<16xf32>,
        %gather3A_116 = tpu.vector_load_idx %arg13[%max3A_12] : memref<16xi32, #tpu.memory_space<vmem>>[vector<16xi32>], vector<16xi32>,
        %eq3A_117 = arith.cmpi eq, %gather3A_114, %get3A_80 : vector<16xi32>
        %lt3A_118 = arith.cmpf olt, %gather3A_115, %select_n3A : vector<16xf32>
        %and3A_119 = arith.andi %eq3A_117, %lt3A_118 : vector<16xi1>
        %select_n3A_120 = arith.select %and3A_119, %gather3A_115, %select_n3A : vector<16xi1>, vector<16xf32>
        %select_n3A_121 = arith.select %and3A_119, %gather3A_116, %select_n3A_109 : vector<16xi1>, vector<16xi32>
        %swap3A_122 = arith.constant 0 : index
        %swap3A_123 = tpu.vector_load %arg12[%swap3A_122] {strides = array<i32>} : memref<16xf32, #tpu.memory_space<vmem>>, vector<16xf32>,
        tpu.vector_store %arg12[%swap3A_122], %select_n3A_120 {strides = array<i32>} : memref<16xf32, #tpu.memory_space<vmem>>, vector<16xf32>,
        %swap3A_124 = arith.constant 0 : index
        %swap3A_125 = tpu.vector_load %arg13[%swap3A_124] {strides = array<i32>} : memref<16xi32, #tpu.memory_space<vmem>>, vector<16xi32>,
        tpu.vector_store %arg13[%swap3A_124], %select_n3A_121 {strides = array<i32>} : memref<16xi32, #tpu.memory_space<vmem>>, vector<16xi32>,
        %gather3A_126 = tpu.vector_load_idx %arg14[%max3A_18] : memref<16xi32, #tpu.memory_space<vmem>>[vector<16xi32>], vector<16xi32>,
        %gather3A_127 = tpu.vector_load_idx %arg12[%max3A_18] : memref<16xf32, #tpu.memory_space<vmem>>[vector<16xi32>], vector<16xf32>,
        %gather3A_128 = tpu.vector_load_idx %arg13[%max3A_18] : memref<16xi32, #tpu.memory_space<vmem>>[vector<16xi32>], vector<16xi32>,
        %eq3A_129 = arith.cmpi eq, %gather3A_126, %get3A_80 : vector<16xi32>
        %lt3A_130 = arith.cmpf olt, %gather3A_127, %select_n3A_120 : vector<16xf32>
        %and3A_131 = arith.andi %eq3A_129, %lt3A_130 : vector<16xi1>
        %select_n3A_132 = arith.select %and3A_131, %gather3A_127, %select_n3A_120 : vector<16xi1>, vector<16xf32>
        %select_n3A_133 = arith.select %and3A_131, %gather3A_128, %select_n3A_121 : vector<16xi1>, vector<16xi32>
        %swap3A_134 = arith.constant 0 : index
        %swap3A_135 = tpu.vector_load %arg12[%swap3A_134] {strides = array<i32>} : memref<16xf32, #tpu.memory_space<vmem>>, vector<16xf32>,
        tpu.vector_store %arg12[%swap3A_134], %select_n3A_132 {strides = array<i32>} : memref<16xf32, #tpu.memory_space<vmem>>, vector<16xf32>,
        %swap3A_136 = arith.constant 0 : index
        %swap3A_137 = tpu.vector_load %arg13[%swap3A_136] {strides = array<i32>} : memref<16xi32, #tpu.memory_space<vmem>>, vector<16xi32>,
        tpu.vector_store %arg13[%swap3A_136], %select_n3A_133 {strides = array<i32>} : memref<16xi32, #tpu.memory_space<vmem>>, vector<16xi32>,
        %gather3A_138 = tpu.vector_load_idx %arg14[%max3A_24] : memref<16xi32, #tpu.memory_space<vmem>>[vector<16xi32>], vector<16xi32>,
        %gather3A_139 = tpu.vector_load_idx %arg12[%max3A_24] : memref<16xf32, #tpu.memory_space<vmem>>[vector<16xi32>], vector<16xf32>,
        %gather3A_140 = tpu.vector_load_idx %arg13[%max3A_24] : memref<16xi32, #tpu.memory_space<vmem>>[vector<16xi32>], vector<16xi32>,
        %eq3A_141 = arith.cmpi eq, %gather3A_138, %get3A_80 : vector<16xi32>
        %lt3A_142 = arith.cmpf olt, %gather3A_139, %select_n3A_132 : vector<16xf32>
        %and3A_143 = arith.andi %eq3A_141, %lt3A_142 : vector<16xi1>
        %select_n3A_144 = arith.select %and3A_143, %gather3A_139, %select_n3A_132 : vector<16xi1>, vector<16xf32>
        %select_n3A_145 = arith.select %and3A_143, %gather3A_140, %select_n3A_133 : vector<16xi1>, vector<16xi32>
        %and3A_146 = arith.andi %unique3A, %and3A_87 : vector<16xi1>
        %gather3A_147 = tpu.vector_load_idx %arg10[%min3A_91] : memref<4096xf32, #tpu.memory_space<vmem>>[vector<16xi32>], vector<16xf32>,
        %gather3A_148 = tpu.vector_load_idx %arg11[%min3A_91] : memref<4096xi32, #tpu.memory_space<vmem>>[vector<16xi32>], vector<16xi32>,
        %le3A = arith.cmpf ole, %select_n3A_144, %gather3A_147 : vector<16xf32>
        %select_n3A_149 = arith.select %le3A, %select_n3A_144, %gather3A_147 : vector<16xi1>, vector<16xf32>
        %select_n3A_150 = arith.select %le3A, %select_n3A_145, %gather3A_148 : vector<16xi1>, vector<16xi32>
        tpu.vector_store_idx %arg10[%min3A_91], %select_n3A_149 masked %and3A_146 : memref<4096xf32, #tpu.memory_space<vmem>>[vector<16xi32>], vector<16xf32>, vector<16xi1>
        tpu.vector_store_idx %arg11[%min3A_91], %select_n3A_150 masked %and3A_146 : memref<4096xi32, #tpu.memory_space<vmem>>[vector<16xi32>], vector<16xi32>, vector<16xi1>
        %scan3A_151 = arith.constant 0 : i32
        scf.yield %scan3A_151 : i32
      }
      %scan3A_73 = arith.constant 128 : i32
      %while3A_74 = arith.constant 0 : i32
      scf.yield %while3A_74 : i32
    }
    %and3A = arith.constant -8 : i32
    %and3A_59 = arith.andi %squeeze3A, %and3A : i32
    %multiple_of3A = tpu.assume_multiple %and3A_59, 8 : i32
    %while3A_60 = scf.while (%while3A_63 = %multiple_of3A) : (i32) -> i32 {
      %lt3A = arith.cmpi slt, %while3A_63, %squeeze3A_37 : i32
      scf.condition(%lt3A) %while3A_63 : i32
    } do {
    ^bb0(%while3A_63: i32):
      %min3A = arith.constant 1032192 : i32
      %min3A_64 = arith.minsi %while3A_63, %min3A : i32
      %multiple_of3A_65 = tpu.assume_multiple %min3A_64, 8 : i32
      %mul3A_66 = arith.constant 3 : i32
      %mul3A_67 = arith.muli %multiple_of3A_65, %mul3A_66 : i32
      "tpu.region"() ({
        %run_scoped3A = tpu.sem_alloc : memref<!tpu.dma_semaphore, #tpu.memory_space<semaphore_mem>>
        %dma_start3A = tpu.memref_slice %arg2[%mul3A_67] : memref<3145728xf32, #tpu.memory_space<hbm>> -> memref<49152xf32, #tpu.memory_space<hbm>>
        %dma_start3A_77 = tpu.memref_slice %arg2[%mul3A_67] : memref<3145728xf32, #tpu.memory_space<hbm>> -> memref<49152xf32, #tpu.memory_space<hbm>>
        tpu.enqueue_dma source(%dma_start3A_77 : memref<49152xf32, #tpu.memory_space<hbm>>) target(%arg16 : memref<49152xf32, #tpu.memory_space<vmem>>) target_semaphore(%run_scoped3A : memref<!tpu.dma_semaphore, #tpu.memory_space<semaphore_mem>>)
        %dma_wait3A = tpu.memref_slice %arg2[%mul3A_67] : memref<3145728xf32, #tpu.memory_space<hbm>> -> memref<49152xf32, #tpu.memory_space<hbm>>
        %dma_wait3A_78 = tpu.memref_slice %arg2[%mul3A_67] : memref<3145728xf32, #tpu.memory_space<hbm>> -> memref<49152xf32, #tpu.memory_space<hbm>>
        tpu.wait_dma2 semaphore(%run_scoped3A : memref<!tpu.dma_semaphore, #tpu.memory_space<semaphore_mem>>) src(%dma_wait3A_78 : memref<49152xf32, #tpu.memory_space<hbm>>) dst(%arg16 : memref<49152xf32, #tpu.memory_space<vmem>>)
        tpu.yield
      }) : () -> ()
      %scan3A_68 = arith.constant 0 : i32
      %scan3A_69 = arith.constant 0 : i32
      %scan3A_70 = arith.constant 256 : i32
      %scan3A_71 = arith.addi %scan3A_69, %scan3A_70 : i32
      %scan3A_72 = arith.constant 1 : i32
      %scan3A_73 = scf.for %scan3A_77 = %scan3A_69 to %scan3A_71 step %scan3A_72 iter_args(%scan3A_78 = %scan3A_68) -> (i32)  : i32 {
        %mul3A_79 = arith.constant 16 : i32
        %mul3A_80 = arith.muli %scan3A_77, %mul3A_79 : i32
        %get3A_81 = arith.index_cast %mul3A_80 : i32 to index
        %get3A_82 = tpu.vector_load %arg11[%get3A_81] {strides = array<i32>} : memref<4096xi32, #tpu.memory_space<vmem>>, vector<16xi32>,
        %ge3A = vector.broadcast %multiple_of3A_65 : i32 to vector<16xi32>
        %ge3A_83 = arith.cmpi sge, %get3A_82, %ge3A : vector<16xi32>
        %add3A_84 = arith.constant 16384 : i32
        %add3A_85 = arith.addi %multiple_of3A_65, %add3A_84 : i32
        %lt3A = vector.broadcast %add3A_85 : i32 to vector<16xi32>
        %lt3A_86 = arith.cmpi slt, %get3A_82, %lt3A : vector<16xi32>
        %and3A_87 = arith.andi %ge3A_83, %lt3A_86 : vector<16xi1>
        %sub3A_88 = vector.broadcast %multiple_of3A_65 : i32 to vector<16xi32>
        %sub3A_89 = arith.subi %get3A_82, %sub3A_88 : vector<16xi32>
        %mul3A_90 = arith.constant 3 : i32
        %mul3A_91 = vector.broadcast %mul3A_90 : i32 to vector<16xi32>
        %mul3A_92 = arith.muli %sub3A_89, %mul3A_91 : vector<16xi32>
        %gather3A = tpu.vector_load_idx %arg16[%mul3A_92] masked %and3A_87 : memref<49152xf32, #tpu.memory_space<vmem>>[vector<16xi32>], vector<16xf32>, vector<16xi1>
        %add3A_93 = arith.constant 1 : i32
        %add3A_94 = vector.broadcast %add3A_93 : i32 to vector<16xi32>
        %add3A_95 = arith.addi %mul3A_92, %add3A_94 : vector<16xi32>
        %gather3A_96 = tpu.vector_load_idx %arg16[%add3A_95] masked %and3A_87 : memref<49152xf32, #tpu.memory_space<vmem>>[vector<16xi32>], vector<16xf32>, vector<16xi1>
        %add3A_97 = arith.constant 2 : i32
        %add3A_98 = vector.broadcast %add3A_97 : i32 to vector<16xi32>
        %add3A_99 = arith.addi %mul3A_92, %add3A_98 : vector<16xi32>
        %gather3A_100 = tpu.vector_load_idx %arg16[%add3A_99] masked %and3A_87 : memref<49152xf32, #tpu.memory_space<vmem>>[vector<16xi32>], vector<16xf32>, vector<16xi1>
        %add3A_101 = vector.broadcast %mul3A_80 : i32 to vector<16xi32>
        %add3A_102 = arith.addi %add3A_101, %iota3A : vector<16xi32>
        %mul3A_103 = arith.constant 3 : i32
        %mul3A_104 = vector.broadcast %mul3A_103 : i32 to vector<16xi32>
        %mul3A_105 = arith.muli %add3A_102, %mul3A_104 : vector<16xi32>
        tpu.vector_store_idx %arg15[%mul3A_105], %gather3A masked %and3A_87 : memref<12288xf32, #tpu.memory_space<vmem>>[vector<16xi32>], vector<16xf32>, vector<16xi1>
        %add3A_106 = arith.constant 1 : i32
        %add3A_107 = vector.broadcast %add3A_106 : i32 to vector<16xi32>
        %add3A_108 = arith.addi %mul3A_105, %add3A_107 : vector<16xi32>
        tpu.vector_store_idx %arg15[%add3A_108], %gather3A_96 masked %and3A_87 : memref<12288xf32, #tpu.memory_space<vmem>>[vector<16xi32>], vector<16xf32>, vector<16xi1>
        %add3A_109 = arith.constant 2 : i32
        %add3A_110 = vector.broadcast %add3A_109 : i32 to vector<16xi32>
        %add3A_111 = arith.addi %mul3A_105, %add3A_110 : vector<16xi32>
        tpu.vector_store_idx %arg15[%add3A_111], %gather3A_100 masked %and3A_87 : memref<12288xf32, #tpu.memory_space<vmem>>[vector<16xi32>], vector<16xf32>, vector<16xi1>
        %scan3A_112 = arith.constant 0 : i32
        scf.yield %scan3A_112 : i32
      }
      %scan3A_74 = arith.constant 256 : i32
      %add3A_75 = arith.constant 16384 : i32
      %add3A_76 = arith.addi %while3A_63, %add3A_75 : i32
      scf.yield %add3A_76 : i32
    }
    %mul3A_61 = arith.constant 3 : i32
    %mul3A_62 = arith.muli %mul3A_2, %mul3A_61 : i32
    "tpu.region"() ({
      %run_scoped3A = tpu.sem_alloc : memref<!tpu.dma_semaphore, #tpu.memory_space<semaphore_mem>>
      %dma_start3A = tpu.memref_slice %arg6[%mul3A_62] : memref<393216xf32, #tpu.memory_space<hbm>> -> memref<12288xf32, #tpu.memory_space<hbm>>
      %dma_start3A_63 = tpu.memref_slice %arg6[%mul3A_62] : memref<393216xf32, #tpu.memory_space<hbm>> -> memref<12288xf32, #tpu.memory_space<hbm>>
      tpu.enqueue_dma source(%arg15 : memref<12288xf32, #tpu.memory_space<vmem>>) target(%dma_start3A_63 : memref<12288xf32, #tpu.memory_space<hbm>>) target_semaphore(%run_scoped3A : memref<!tpu.dma_semaphore, #tpu.memory_space<semaphore_mem>>)
      %dma_wait3A = tpu.memref_slice %arg6[%mul3A_62] : memref<393216xf32, #tpu.memory_space<hbm>> -> memref<12288xf32, #tpu.memory_space<hbm>>
      %dma_wait3A_64 = tpu.memref_slice %arg6[%mul3A_62] : memref<393216xf32, #tpu.memory_space<hbm>> -> memref<12288xf32, #tpu.memory_space<hbm>>
      tpu.wait_dma2 semaphore(%run_scoped3A : memref<!tpu.dma_semaphore, #tpu.memory_space<semaphore_mem>>) src(%arg15 : memref<12288xf32, #tpu.memory_space<vmem>>) dst(%dma_wait3A_64 : memref<12288xf32, #tpu.memory_space<hbm>>)
      tpu.yield
    }) : () -> ()
    "tpu.region"() ({
      %run_scoped3A = tpu.sem_alloc : memref<!tpu.dma_semaphore, #tpu.memory_space<semaphore_mem>>
      %dma_start3A = tpu.memref_slice %arg7[%mul3A_2] : memref<131072xi32, #tpu.memory_space<hbm>> -> memref<4096xi32, #tpu.memory_space<hbm>>
      %dma_start3A_63 = tpu.memref_slice %arg7[%mul3A_2] : memref<131072xi32, #tpu.memory_space<hbm>> -> memref<4096xi32, #tpu.memory_space<hbm>>
      tpu.enqueue_dma source(%arg11 : memref<4096xi32, #tpu.memory_space<vmem>>) target(%dma_start3A_63 : memref<4096xi32, #tpu.memory_space<hbm>>) target_semaphore(%run_scoped3A : memref<!tpu.dma_semaphore, #tpu.memory_space<semaphore_mem>>)
      %dma_wait3A = tpu.memref_slice %arg7[%mul3A_2] : memref<131072xi32, #tpu.memory_space<hbm>> -> memref<4096xi32, #tpu.memory_space<hbm>>
      %dma_wait3A_64 = tpu.memref_slice %arg7[%mul3A_2] : memref<131072xi32, #tpu.memory_space<hbm>> -> memref<4096xi32, #tpu.memory_space<hbm>>
      tpu.wait_dma2 semaphore(%run_scoped3A : memref<!tpu.dma_semaphore, #tpu.memory_space<semaphore_mem>>) src(%arg11 : memref<4096xi32, #tpu.memory_space<vmem>>) dst(%dma_wait3A_64 : memref<4096xi32, #tpu.memory_space<hbm>>)
      tpu.yield
    }) : () -> ()
    return
  }
}

</mosaic_0001>

<sc_bundles>
// kernel: _run.11.cloned.1.call-start
scs
__scs_entry_jumppad:
0x0: {  	(pc) =	sbr.rel $0x88, $3  }
0x1: {  	(tag) =	ssettag $0x0;
	lr =	simm.s32 $0x1  }
0x2: {  	[smem:$0x3F9F] =	sst lr;
	_ =	strace $0xD0000000  }
0x3: {  	_ = 	snop  }
0x4: {  	_ = 	snop  }
0x5: {  	_ = 	snop  }
0x6: {  	_ = 	snop  }
0x7: {  	_ = 	snop  }
__scs_overlays_trampoline_lowered:
0x8: {  	[smem:$0x3FAE] =	sst s0  }
0x9: {  	[smem:$0x3FAF] =	sst s1  }
0xa: {  	[smem:$0x3FB0] =	sst s2  }
0xb: {  	[smem:$0x3FB1] =	sst s3  }
0xc: {  	[smem:$0x3FB2] =	sst s4  }
0xd: {  	[smem:$0x3FB3] =	sst s5  }
0xe: {  	[smem:$0x3FB4] =	sst s6  }
0xf: {  	[smem:$0x3FB5] =	sst s7  }
0x10: {  	[smem:$0x3FB6] =	sst s8  }
0x11: {  	[smem:$0x3FB7] =	sst s9;
	s0 =	simm.s32 @!p0 $0x0  }
0x12: {  	s1 =	sld [smem:$0x3F9D];
	s0 =	simm.s32 @p0 $0x1  }
0x13: {  	[smem:$0x3FB8] =	sst s0;
	s0 =	simm.s32 @!p1 $0x0  }
0x14: {  	s2 =	sld [smem:$0x3F9C];
	s0 =	simm.s32 @p1 $0x1  }
0x15: {  	[smem:$0x3FB9] =	sst s0;
	s0 =	simm.s32 @!p2 $0x0  }
0x16: {  	s3 =	sld [smem:$0x3FDB];
	s0 =	simm.s32 @p2 $0x1  }
0x17: {  	s4 =	simm.s32 $0x1BF5;
	[smem:$0x3FBB] =	sst s0  }
0x18: {  	s0 =	sld [smem:$0x3F9E];
	_ =	swait.ge [sflag:s4], $0x0  }
0x19: {  	s7 =	sld [smem:$0x3F9F]  }
0x1a: {  	s8 =	sadd.s32 $0xFFFFE003, lr  }
0x1b: {  	s9 =	sadd.s32 $0xFFFFFEF7, lr;
	s5 =	simm.s32 $0xFFFFFFFF;
	p2 =	slt.u32 s8, $0xFFFFF086  }
0x1c: {  	p1 =	slt.u32 s9, $0xF7A;
	s5 =	simm.s32 @!p2 $0x0  }
0x1d: {  	s5 =	simm.s32 @p1 $0x1;
	p0 =	seq.s32 s7, s2  }
0x1e: {  	s7 =	smul.u32 @!p0 $0xF7A, s2;
	p2 =	seq.s32 @!p0 s5, $0x0  }
0x1f: {  	s9 =	smul.u32 $0xF7A, s1;
	s8 =	simm.s32 @!p0 $0x1BF5;
	p2 =	por !p2, p0  }
0x20: {  	[sflag:s8] =	ssyncset.s32 @!p0 $0xFFFFF086;
	s6 =	sadd.s32 @!p0 s3, s7;
	s7 =	simm.s32 @!p0 $0x108  }
0x21: {  	s3 =	sadd.s32 s3, s9;
	s6 =	sadd.s32 @!p0 $0x88, s6;
	s7 =	simm.s32 @p2 $0x1082  }
0x22: {  	[simem:s7], [sflag:s8] =	dma.local @!p0 [hbm:s6], $0xF7A  }
0x23: {  	s9 =	sor.u32 $0xD0000000, s2;
	s6 =	simm.s32 $0x108;
	_ =	swait.ge @!p0 [sflag:s8], $0x0  }
0x24: {  	s3 =	sadd.s32 $0x88, s3;
	s6 =	simm.s32 @!p1 $0x1082;
	[sflag:s4] =	ssyncset.s32 $0xFFFFF086  }
0x25: {  	[simem:s6], [sflag:s4] =	dma.local [hbm:s3], $0xF7A  }
0x26: {  	[smem:$0x3F9F] =	sst s1;
	(tag) =	ssettag s2;
	_ =	strace s9  }
0x27: {  	s1 =	sld [smem:$0x3FAF]  }
0x28: {  	s2 =	sld [smem:$0x3FB0]  }
0x29: {  	s4 =	sld [smem:$0x3FB2]  }
0x2a: {  	p0 =	seq.s32 s5, $0x0;
	s5 =	sld [smem:$0x3FB3]  }
0x2b: {  	s6 =	sld [smem:$0x3FB4]  }
0x2c: {  	s7 =	sld [smem:$0x3FB5]  }
0x2d: {  	s3 =	simm.s32 $0x108;
	s8 =	sld [smem:$0x3FB6]  }
0x2e: {  	s3 =	simm.s32 @!p0 $0x1082;
	s9 =	sld [smem:$0x3FB7]  }
0x2f: {  	lr =	sadd.s32 s0, s3;
	s0 =	sld [smem:$0x3FAE]  }
0x30: {  	s3 =	sld [smem:$0x3FB1]  }
0x31: {  	[smem:$0x3FBA] =	sst s10  }
0x32: {  	s10 =	sld [smem:$0x3FB8];
	_ =	sdelay $0x3  }
0x33: {  	p0 =	seq.s32 s10, $0x1;
	s10 =	sld [smem:$0x3FBA];
	_ =	sdelay $0x3  }
0x34: {  	[smem:$0x3FBA] =	sst s10  }
0x35: {  	s10 =	sld [smem:$0x3FB9];
	_ =	sdelay $0x3  }
0x36: {  	p1 =	seq.s32 s10, $0x1;
	s10 =	sld [smem:$0x3FBA];
	_ =	sdelay $0x3  }
0x37: {  	[smem:$0x3FBA] =	sst s10  }
0x38: {  	s10 =	sld [smem:$0x3FBB]  }
0x39: {  	_ = 	snop;
	(pc) =	sbr.ind lr, $3  }
0x3a: {  	_ = 	snop  }
0x3b: {  	_ = 	snop  }
0x3c: {  	p2 =	seq.s32 s10, $0x1;
	s10 =	sld [smem:$0x3FBA]  }
0x3d: {  	_ =	shalt  }
0x3e: {  	_ =	shalt  }
0x3f: {  	_ =	shalt  }
0x40: {  	_ =	shalt  }
0x41: {  	_ =	shalt  }
0x42: {  	_ =	shalt  }
0x43: {  	_ =	shalt  }
0x44: {  	_ =	shalt  }
0x45: {  	_ =	shalt  }
0x46: {  	_ =	shalt  }
0x47: {  	_ =	shalt  }
0x48: {  	_ =	shalt  }
0x49: {  	_ =	shalt  }
0x4a: {  	_ =	shalt  }
0x4b: {  	_ =	shalt  }
0x4c: {  	_ =	shalt  }
0x4d: {  	_ =	shalt  }
0x4e: {  	_ =	shalt  }
0x4f: {  	_ =	shalt  }
0x50: {  	_ =	shalt  }
0x51: {  	_ =	shalt  }
0x52: {  	_ =	shalt  }
0x53: {  	_ =	shalt  }
0x54: {  	_ =	shalt  }
0x55: {  	_ =	shalt  }
0x56: {  	_ =	shalt  }
0x57: {  	_ =	shalt  }
0x58: {  	_ =	shalt  }
0x59: {  	_ =	shalt  }
0x5a: {  	_ =	shalt  }
0x5b: {  	_ =	shalt  }
0x5c: {  	_ =	shalt  }
0x5d: {  	_ =	shalt  }
0x5e: {  	_ =	shalt  }
0x5f: {  	_ =	shalt  }
0x60: {  	_ =	shalt  }
0x61: {  	_ =	shalt  }
0x62: {  	_ =	shalt  }
0x63: {  	_ =	shalt  }
0x64: {  	_ =	shalt  }
0x65: {  	_ =	shalt  }
0x66: {  	_ =	shalt  }
0x67: {  	_ =	shalt  }
0x68: {  	_ =	shalt  }
0x69: {  	_ =	shalt  }
0x6a: {  	_ =	shalt  }
0x6b: {  	_ =	shalt  }
0x6c: {  	_ =	shalt  }
0x6d: {  	_ =	shalt  }
0x6e: {  	_ =	shalt  }
0x6f: {  	_ =	shalt  }
0x70: {  	_ =	shalt  }
0x71: {  	_ =	shalt  }
0x72: {  	_ =	shalt  }
0x73: {  	_ =	shalt  }
0x74: {  	_ =	shalt  }
0x75: {  	_ =	shalt  }
0x76: {  	_ =	shalt  }
0x77: {  	_ =	shalt  }
0x78: {  	_ =	shalt  }
0x79: {  	_ =	shalt  }
0x7a: {  	_ =	shalt  }
0x7b: {  	_ =	shalt  }
0x7c: {  	_ =	shalt  }
0x7d: {  	_ =	shalt  }
0x7e: {  	_ =	shalt  }
0x7f: {  	_ =	shalt  }
0x80: {  	_ =	shalt  }
0x81: {  	_ =	shalt  }
0x82: {  	_ =	shalt  }
0x83: {  	_ =	shalt  }
0x84: {  	_ =	shalt  }
0x85: {  	_ =	shalt  }
0x86: {  	_ =	shalt  }
0x87: {  	_ =	shalt  }
.Lfunc_end0:
.L_simem_size_0:
called_computation.2_lowered:
.L_overlay_start_0:
0x88: {  	s2 =	sld [smem:$0x3FD9]  }
0x89: {  	s3 =	sld [smem:$0x3FFE];
	_ =	sdelay $0x1  }
0x8a: {  	s1 =	srdreg.scid  }
0x8b: {  	s0 =	sand.u32 $0x1, s1  }
0x8c: {  	s14 =	sshll.u32 s0, $0xA;
	s2 =	sadd.s32 s3, s2  }
0x8d: {  	s2 =	sadd.s32 s2, s14  }
0x8e: {  	[smem:$0x3FC6] =	sst s2  }
0x8f: {  	_ = 	snop  }
0x90: {  	s2 =	sld [smem:$0x3FD0];
	_ =	sdelay $0x2  }
0x91: {  	s4 =	simm.s32 $0xA;
	s5 =	simm.s32 $0x10;
	s15 =	sld [smem:$0x3FC8]  }
0x92: {  	[smem:s5], [sflag:s4] =	dma.local [hbm:s2], $0x1  }
0x93: {  	_ =	swait.eq [sflag:s4], $0x1  }
0x94: {  	[sflag:s4] =	ssyncset.done $0x0  }
0x95: {  	s16 =	sld [smem:$0x10];
	[sflag:s4] =	ssyncadd.s32 $0xFFFFFFFF  }
0x96: {  	s17 =	sld [smem:$0x11];
	(tm) =	ssettm $0x1  }
0x97: {  	s18 =	sld [smem:$0x3FFB];
	_ =	sdelay $0x3  }
0x98: {  	_ =	strace s18  }
0x99: {  	s5 =	sld [smem:$0x3FFC];
	_ =	sdelay $0x3  }
0x9a: {  	_ =	strace s5  }
0x9b: {  	s5 =	sld [smem:$0x3FFD];
	_ =	sdelay $0x3  }
0x9c: {  	_ =	strace s5  }
0x9d: {  	_ =	strace $0x8FFFFFFF  }
0x9e: {  	s19 =	sld [smem:$0x3FDB];
	_ =	sdelay $0x1  }
0x9f: {  	s6 =	simm.s32 $_scs_section_size  }
0xa0: {  	s7 =	simm.s32 $_size__tile_overlayer_lowered;
	s8 =	simm.s32 $_tile_overlayer_lowered  }
0xa1: {  	s22 =	simm.s32 $0x1BFF;
	s21 =	sshll.u32 s8, $0x1;
	s5 =	sadd.s32 s6, s19  }
0xa2: {  	s9 =	simm.s32 $0x0;
	s20 =	sshll.u32 s7, $0x1;
	s7 =	sadd.s32 s21, s5  }
0xa3: {  	[timem:s9], [sflag:s22] =	dma.local [hbm:s7], s20  }
0xa4: {  	_ =	swait.ge [sflag:s22], s20  }
0xa5: {  	s6 =	ssub.s32 $0x0, s20;
	[sflag:s22] =	ssyncset.done $0x0  }
0xa6: {  	[sflag:s22] =	ssyncadd.s32 s6;
	_ =	sdelay $0x1  }
0xa7: {  	s23 =	simm.s32 $0x1B8B  }
0xa8: {  	_ =	swait.ge [sflag:s23], $0x1  }
0xa9: {  	[sflag:s23] =	ssyncset.done $0x0  }
0xaa: {  	s25 =	simm.s32 $0x1B8E;
	s24 =	sld [smem:$0x3FFE];
	[sflag:s23] =	ssyncadd.s32 $0xFFFFFFFF  }
0xab: {  	s26 =	simm.s32 $execute0_lowered;
	[smem:$0x3FD2] =	sst s25  }
0xac: {  	s7 =	sshll.u32 s26, $0x1;
	_ =	strace $0x8000004C;
	[dreg:$0x1] =	wrdreg $0xFFFFFFFF  }
0xad: {  	s28 =	simm.s32 $_size_execute0_lowered;
	s5 =	sadd.s32 s5, s7;
	[dreg:$0x0] =	wrdreg $0x0  }
0xae: {  	s7 =	sshll.u32 s28, $0x1;
	[dreg:$0x2] =	wrdreg s5  }
0xaf: {  	[dreg:$0x3] =	wrdreg s7  }
0xb0: {  	[dreg:$0x4] =	wrdreg $0xC0  }
0xb1: {  	_ =	task [dreg:s9], $0x5FFFF  }
0xb2: {  	[dreg:$0x1] =	wrdreg $0xFFFFFFFF  }
0xb3: {  	[dreg:$0x0] =	wrdreg $0x60  }
0xb4: {  	[dreg:$0x2] =	wrdreg s24  }
0xb5: {  	[dreg:$0x3] =	wrdreg s15  }
0xb6: {  	[dreg:$0x4] =	wrdreg s16  }
0xb7: {  	[dreg:$0x5] =	wrdreg s17  }
0xb8: {  	[dreg:$0x6] =	wrdreg $0x9  }
0xb9: {  	_ =	task.clear_ibuf [dreg:s9], $0x7FFFF;
	_ =	strace $0x9000004C  }
0xba: {  	s29 =	simm.s32 $0x9;
	_ =	strace $0x8000004E  }
0xbb: {  	_ =	swait.ge [sflag:s29], $0x1  }
0xbc: {  	[sflag:s29] =	ssyncadd.s32 $0xFFFFFFFF  }
0xbd: {  	_ =	strace $0x9000004E  }
0xbe: {  	_ =	sfence  }
0xbf: {  	s30 =	sld [smem:$0x0];
	_ =	sdelay $0x2  }
0xc0: {  	s31 =	sshll.u32 s1, $0xD;
	s1 =	sshrl.u32 s1, $0x2  }
0xc1: {  	s3 =	sand.u32 $0x4000, s31;
	s1 =	sadd.s32 s1, s30  }
0xc2: {  	s0 =	sor.u32 s3, s0;
	s1 =	sshll.u32 s1, $0x11  }
0xc3: {  	s0 =	sor.u32 s1, s0  }
0xc4: {  	s0 =	sadd.s32 $0x8F2B, s0  }
0xc5: {  	[sflag:s0] =	ssyncadd.remote.s32 $0x1  }
0xc6: {  	_ =	sfence.sel $0xFFFF  }
0xc7: {  	[dreg:$0x0] =	wrdreg $0xFFFFFFFF;
	(pc) =	sbr.abs _section_cstart, $3  }
0xc8: {  	[dreg:$0x1] =	wrdreg $0xFFFFFFFF  }
0xc9: {  	_ =	task.clear_ibuf [dreg:s9], $0x2FFFF;
	_ =	strace $0x9FFFFFFF  }
0xca: {  	(tm) =	ssettm $0x7FFFFFFF  }
0xcb: {  	_ =	shalt  }
tec
execute0_lowered:
.L_overlay_start_1:
0x0: {  	(tag) =	ssettag $0x1  }
0x1: {  	v0 =	vimm.s32 $0xEDCBA987  }
0x2: {  	v1 =	vimm.s32 $0x65432100;
	v3 =	vlaneseq.u32;
	v6 =	vimm.s32 $0x54321000  }
0x3: {  	v7 =	vimm.s32 $0xDCBA9876;
	v8 =	vimm.s32 $0xBA987654;
	v9 =	vimm.s32 $0xE40000  }
0x4: {  	s8 =	rddreg [dreg:$0x0];
	v10 =	vimm.s32 $0x32100000;
	v11 =	vimm.s32 $0x7060504;
	v12 =	vimm.s32 $0x74163052  }
0x5: {  	s9 =	rddreg [dreg:$0x2];
	vm0 =	vcmask $0x3F30;
	v2 =	vunpack.c.l.s4.s8 v0;
	v4 =	vunpack.c.l.s4.s8 v1  }
0x6: {  	s1 =	srdreg.scid;
	s10 =	rddreg [dreg:$0x3];
	v1 =	vimm.f32 $+Inf;
	v7 =	vunpack.c.l.s4.s8 v7;
	v8 =	vunpack.c.l.s4.s8 v8  }
0x7: {  	s0 =	stileid.u32;
	s3 =	rddreg [dreg:$0x4];
	s4 =	simm.s32 $0x0;
	v9 =	vunpack.c.l.s2.s4 v9;
	v6 =	vunpack.c.l.s4.s8 v6;
	v5 =	vunpack.c.0.s8.s32 v2  }
0x8: {  	s14 =	simm.s32 $0x3020;
	s7 =	sand.u32 $0x1, s1;
	s30 =	sshll.u32 s0, $0x1;
	v10 =	vunpack.c.l.s4.s8 v10;
	v13 =	vunpack.c.l.s4.s8 v12;
	v4 =	vunpack.c.0.s8.s32 v4  }
0x9: {  	s15 =	simm.s32 $0x3000;
	s16 =	simm.s32 $0x3010;
	s1 =	sor.u32 s7, s30;
	v2 =	vimm.s32 $0x80000000;
	v7 =	vunpack.c.0.s8.s32 v7;
	v5 =	vand.u32 $0xF, v5  }
0xa: {  	s17 =	simm.s32 $0x1000;
	s18 =	simm.s32 $0x2000;
	s2 =	sshll.u32 s1, $0xC;
	v4 =	vcombine.low v4, v5;
	v5 =	vunpack.c.0.s8.s32 v8;
	v8 =	vunpack.c.l.s4.s8 v9  }
0xb: {  	s19 =	simm.s32 $0x6030;
	s20 =	simm.s32 $0x3030;
	s21 =	simm.s32 $0x0;
	v6 =	vunpack.c.0.s8.s32 v6;
	v0 =	vmov s2;
	v9 =	vunpack.c.0.s8.s32 v10  }
0xc: {  	[smem:$0x7FF] =	sst s4;
	s5 =	sadd.s32 $0x1001200, s8;
	s6 =	sadd.s32 $0x1200, s8;
	v7 =	vand.u32 $0xF, v7;
	v10 =	vand.u32 $0xF, v5;
	v8 =	vunpack.c.0.s8.s32 v8  }
.Ltmp0:
0xd: {  	s11 =	ssub.s32 $0x2, s7;
	s7 =	sadd.s32 $0x1000, s8;
	v5 =	vcombine.low v6, v7;
	v7 =	vmul.u32 $0x3, v3;
	v6 =	vcombine.low v9, v10;
	(pc) =	sbr.rel .LBB2_1-.Ltmp0, $4  }
0xe: {  	s12 =	smul.u32 $0x600, s1;
	s31 =	sshrl.u32 s11, $0x1;
	s13 =	sshll.u32 s1, $0x9;
	v9 =	vunpack.c.0.s8.s32 v11;
	v10 =	vimm.s32 $0x52741630;
	v11 =	vimm.s32 $0x63052741  }
0xf: {  	s2 =	rddreg [dreg:$0x1];
	_ =	strace $0x8000004D;
	s11 =	ssub.s32 s11, s31;
	v8 =	vand.u32 $0x3, v8;
	v10 =	vunpack.c.l.s4.s8 v10;
	v11 =	vunpack.c.l.s4.s8 v11  }
0x10: {  	v13 =	vunpack.c.0.s8.s32 v13;
	s8 =	sadd.s32 s9, s12;
	s9 =	sadd.s32 s10, s13;
	s10 =	smax.u32 s11, $0x1;
	v12 =	vadd.s32 $0x2, v7;
	v8 =	vsel vm0, v9, v8  }
0x11: {  	s11 =	simm.s32 $0x12030;
	s12 =	simm.s32 $0x1;
	s13 =	simm.s32 $0x800;
	v9 =	vunpack.c.0.s8.s32 v10;
	v10 =	vadd.s32 $0x1, v7;
	v11 =	vunpack.c.0.s8.s32 v11  }
.LBB2_12:
0x12: {  	[hbm4b:s8+s4] =	stream.linear.scatter [tilespmem:s20], [sflag:$0x1], $0x3000, $0x38;
	[tilespmem:$0x12070] =	vst v63  }
0x13: {  	s21 =	sadd.s32 $0x1, s21;
	_ =	swait.ge [sflag:s12], $0x3000  }
0x14: {  	p0 =	sne.s32 s21, s10;
	[sflag:s12] =	ssyncset.done $0x0  }
.Ltmp1:
0x15: {  	[sflag:s12] =	ssyncadd.s32 $0xFFFFD000;
	(pc) =	sbr.rel @!p0 .LBB2_13-.Ltmp1, $4  }
0x16: {  	[hbm4b:s9+s4] =	stream.linear.scatter [tilespmem:s18], [sflag:$0x1], $0x1000, $0x38;
	[tilespmem:$0x12070] =	vst v63  }
0x17: {  	_ =	swait.ge [sflag:s12], $0x1000  }
0x18: {  	[sflag:s12] =	ssyncset.done $0x0  }
0x19: {  	[sflag:s12] =	ssyncadd.s32 $0xFFFFF000  }
.LBB2_1:
0x1a: {  	[tilespmem:s11], [sflag:$0x1] =	stream.linear.gather [hbm4b:s7+s4], $0x40, $0x38;
	[tilespmem:$0x12070] =	vst v63  }
0x1b: {  	_ =	swait.ge [sflag:s12], $0x40  }
0x1c: {  	[sflag:s12] =	ssyncset.done $0x0  }
0x1d: {  	[sflag:s12] =	ssyncadd.s32 $0xFFFFFFC0  }
0x1e: {  	s22 =	simm.s32 $0x40;
	s23 =	simm.s32 $0x0;
	v14 =	vld [tilespmem:s1+$0x12030]  }
.LBB2_2:
0x1f: {  	p0 =	seq.s32 s22, $0x3FC0;
	[tilespmem:s23+$0x1000] =	vst v1;
	s24 =	smov.u32 s22;
	s22 =	sadd.s32 $0x40, s22  }
.Ltmp2:
0x20: {  	[tilespmem:s23+$0x2000] =	vst v2;
	(pc) =	sbr.rel @!p0 .LBB2_2-.Ltmp2, $2  }
0x21: {  	_ =	sdelay $0x2  }
0x22: {  	s23 =	sshra.s32 s24, $0x2  }
0x23: {  	(v2sf) =	vpush v14, $0x0  }
0x24: {  	(v2sf) =	vpush v14, $0x1;
	_ =	sdelay $0xc  }
0x25: {  	[tilespmem:s23+$0x1000] =	vst v1  }
0x26: {  	[tilespmem:s23+$0x2000] =	vst v2;
	s23 =	spop (v2sf)  }
0x27: {  	s22 =	spop (v2sf)  }
0x28: {  	s25 =	sadd.s32 $0x7FF, s22  }
0x29: {  	s24 =	sshrl.u32 s23, $0xB;
	s25 =	sshrl.u32 s25, $0xB  }
0x2a: {  	p0 =	sge.u32 s24, s25  }
.Ltmp3:
0x2b: {  	_ = 	snop;
	(pc) =	sbr.rel @p0 .LBB2_8-.Ltmp3, $1  }
0x2c: {  	_ =	sdelay $0x3  }
0x2d: {  	s26 =	sshll.u32 s24, $0xB  }
.LBB2_5:
0x2e: {  	s28 =	sshll.u32 s24, $0x8  }
0x2f: {  	s30 =	simm.s32 $0x0;
	s29 =	sadd.s32 s2, s28  }
0x30: {  	[tilespmem:s30], [sflag:$0x1] =	stream.linear.gather [hbm4b:s29+s30], $0x800, $0x38;
	[tilespmem:$0x12070] =	vst v63  }
0x31: {  	_ =	swait.ge [sflag:s12], $0x800  }
0x32: {  	[sflag:s12] =	ssyncset.done $0x0  }
0x33: {  	s28 =	sadd.s32 s6, s28;
	[sflag:s12] =	ssyncadd.s32 $0xFFFFF800  }
0x34: {  	[tilespmem:s13], [sflag:$0x1] =	stream.linear.gather [hbm4b:s28+s30], $0x800, $0x38;
	[tilespmem:$0x12070] =	vst v63  }
0x35: {  	_ =	swait.ge [sflag:s12], $0x800  }
0x36: {  	[sflag:s12] =	ssyncset.done $0x0  }
0x37: {  	s28 =	simm.s32 $0x0;
	[sflag:s12] =	ssyncadd.s32 $0xFFFFF800  }
0x38: {  	v14 =	vld [tilespmem:s28+$0x0]  }
0x39: {  	v15 =	vld [tilespmem:s28+$0x800];
	_ =	sdelay $0x1  }
0x3a: {  	v16 =	vor.u32 s26, v3  }
0x3b: {  	[tilespmem:$0x3010] =	vst v16  }
0x3c: {  	[tilespmem:$0x3020] =	vst v14  }
0x3d: {  	[tilespmem:$0x3000] =	vst v15  }
0x3e: {  	v17 =	vld.idx.msk [tilespmem:v4+s14+$0x0], $0xffff  }
0x3f: {  	v18 =	vld.idx.msk [tilespmem:v4+s15+$0x0], $0xffff;
	_ =	sdelay $0x2  }
0x40: {  	v19 =	vld.idx.msk [tilespmem:v4+s16+$0x0], $0xffff;
	_ =	sdelay $0x1  }
0x41: {  	vm0 =	veq.s32 v17, v14;
	vm1 =	vlt.f32 v18, v15  }
0x42: {  	vm0 =	vmand vm0, vm1  }
0x43: {  	v15 =	vsel vm0, v18, v15  }
0x44: {  	v16 =	vsel vm0, v19, v16;
	[tilespmem:$0x3000] =	vst v15  }
0x45: {  	[tilespmem:$0x3010] =	vst v16  }
0x46: {  	v17 =	vld.idx.msk [tilespmem:v5+s14+$0x0], $0xffff  }
0x47: {  	v18 =	vld.idx.msk [tilespmem:v5+s15+$0x0], $0xffff;
	_ =	sdelay $0x2  }
0x48: {  	v19 =	vld.idx.msk [tilespmem:v5+s16+$0x0], $0xffff;
	_ =	sdelay $0x1  }
0x49: {  	vm0 =	veq.s32 v17, v14;
	vm1 =	vlt.f32 v18, v15  }
0x4a: {  	vm0 =	vmand vm0, vm1  }
0x4b: {  	v15 =	vsel vm0, v18, v15  }
0x4c: {  	v16 =	vsel vm0, v19, v16;
	[tilespmem:$0x3000] =	vst v15  }
0x4d: {  	(xrf1) =	vunique.msk.u32 $0xffff, v14;
	[tilespmem:$0x3010] =	vst v16  }
0x4e: {  	v17 =	vld.idx.msk [tilespmem:v6+s14+$0x0], $0xffff  }
0x4f: {  	v18 =	vld.idx.msk [tilespmem:v6+s15+$0x0], $0xffff;
	_ =	sdelay $0x2  }
0x50: {  	v19 =	vld.idx.msk [tilespmem:v6+s16+$0x0], $0xffff;
	_ =	sdelay $0x1  }
0x51: {  	v20 =	vsub.s32 v14, v0;
	vm0 =	veq.s32 v17, v14;
	vm1 =	vlt.f32 v18, v15  }
0x52: {  	vm2 =	vgt.s32 v20, $0x0;
	vm0 =	vmand vm0, vm1  }
0x53: {  	v21 =	vnsel vm2, $0x0, v20;
	v17 =	vsel vm0, v18, v15  }
0x54: {  	v16 =	vsel vm0, v19, v16;
	v15 =	vmin.u32 v21, $0xFFF;
	[tilespmem:$0x3000] =	vst v17  }
0x55: {  	[tilespmem:$0x3010] =	vst v16  }
0x56: {  	v21 =	vld.idx.msk [tilespmem:v8+s14+$0x0], $0xffff  }
0x57: {  	v18 =	vld.idx.msk [tilespmem:v8+s15+$0x0], $0xffff  }
0x58: {  	vm0 =	vlt.u32 v20, $0x1000;
	_, v20, vm1 =	vpop (xrf1);
	v19 =	vld.idx.msk [tilespmem:v8+s16+$0x0], $0xffff  }
0x59: {  	s29 =	smov.u32 s26;
	s28 =	simm.s32 $0x40;
	v20 =	vld.idx.msk [tilespmem:v15+s17+$0x0], $0xffff  }
.LBB2_6:
0x5a: {  	p0 =	sne.s32 s28, $0x1FC0  }
0x5b: {  	v22 =	vld.idx.msk [tilespmem:v15+s18+$0x0], $0xffff;
	s29 =	sadd.s32 $0x10, s29;
	s30 =	smov.u32 s28;
	s28 =	sadd.s32 $0x40, s28  }
0x5c: {  	vm0 =	vmand vm1, vm0  }
0x5d: {  	vm1 =	veq.s32 v21, v14  }
0x5e: {  	vm2 =	vlt.f32 v18, v17  }
0x5f: {  	vm1 =	vmand vm1, vm2  }
0x60: {  	v14 =	vsel vm1, v18, v17;
	v16 =	vsel vm1, v19, v16  }
0x61: {  	vm1 =	vle.f32 v14, v20  }
0x62: {  	v14 =	vsel vm1, v14, v20;
	v16 =	vsel vm1, v16, v22  }
0x63: {  	s30 =	sshra.s32 s30, $0x2;
	[tilespmem:v15+s17+$0x0] =	vst.idx.msk vm0, v14  }
0x64: {  	[tilespmem:v15+s18+$0x0] =	vst.idx.msk vm0, v16  }
0x65: {  	v14 =	vld [tilespmem:s30+$0x0]  }
0x66: {  	v15 =	vld [tilespmem:s30+$0x800];
	_ =	sdelay $0x1  }
0x67: {  	v16 =	vor.u32 s29, v3  }
0x68: {  	[tilespmem:$0x3010] =	vst v16  }
0x69: {  	v17 =	vsub.s32 v14, v0;
	[tilespmem:$0x3020] =	vst v14;
	(xrf1) =	vunique.msk.u32 $0xffff, v14  }
0x6a: {  	vm0 =	vlt.u32 v17, $0x1000;
	vm1 =	vgt.s32 v17, $0x0;
	[tilespmem:$0x3000] =	vst v15  }
0x6b: {  	v18 =	vnsel vm1, $0x0, v17;
	v17 =	vld.idx.msk [tilespmem:v4+s14+$0x0], $0xffff  }
0x6c: {  	v19 =	vld.idx.msk [tilespmem:v4+s15+$0x0], $0xffff;
	_ =	sdelay $0x1  }
0x6d: {  	v20 =	vld.idx.msk [tilespmem:v4+s16+$0x0], $0xffff;
	_ =	sdelay $0x2  }
0x6e: {  	vm1 =	veq.s32 v17, v14  }
0x6f: {  	vm2 =	vlt.f32 v19, v15  }
0x70: {  	vm1 =	vmand vm1, vm2  }
0x71: {  	v15 =	vsel vm1, v19, v15;
	v16 =	vsel vm1, v20, v16  }
0x72: {  	[tilespmem:$0x3000] =	vst v15  }
0x73: {  	[tilespmem:$0x3010] =	vst v16  }
0x74: {  	v17 =	vld.idx.msk [tilespmem:v5+s14+$0x0], $0xffff;
	_, v19, vm1 =	vpop (xrf1)  }
0x75: {  	v19 =	vld.idx.msk [tilespmem:v5+s15+$0x0], $0xffff  }
0x76: {  	v20 =	vld.idx.msk [tilespmem:v5+s16+$0x0], $0xffff;
	_ =	sdelay $0x3  }
0x77: {  	vm2 =	veq.s32 v17, v14  }
0x78: {  	vm3 =	vlt.f32 v19, v15  }
0x79: {  	vm2 =	vmand vm2, vm3  }
0x7a: {  	v15 =	vsel vm2, v19, v15;
	v16 =	vsel vm2, v20, v16  }
0x7b: {  	[tilespmem:$0x3000] =	vst v15  }
0x7c: {  	[tilespmem:$0x3010] =	vst v16  }
0x7d: {  	v17 =	vld.idx.msk [tilespmem:v6+s14+$0x0], $0xffff  }
0x7e: {  	v19 =	vld.idx.msk [tilespmem:v6+s15+$0x0], $0xffff  }
0x7f: {  	v20 =	vld.idx.msk [tilespmem:v6+s16+$0x0], $0xffff;
	_ =	sdelay $0x3  }
0x80: {  	vm2 =	veq.s32 v17, v14  }
0x81: {  	vm3 =	vlt.f32 v19, v15  }
0x82: {  	vm2 =	vmand vm2, vm3  }
0x83: {  	v17 =	vsel vm2, v19, v15;
	v16 =	vsel vm2, v20, v16  }
0x84: {  	v15 =	vmin.u32 v18, $0xFFF;
	[tilespmem:$0x3000] =	vst v17  }
.Ltmp4:
0x85: {  	[tilespmem:$0x3010] =	vst v16;
	(pc) =	sbr.rel @p0 .LBB2_6-.Ltmp4, $4  }
0x86: {  	v21 =	vld.idx.msk [tilespmem:v8+s14+$0x0], $0xffff  }
0x87: {  	v18 =	vld.idx.msk [tilespmem:v8+s15+$0x0], $0xffff  }
0x88: {  	v19 =	vld.idx.msk [tilespmem:v8+s16+$0x0], $0xffff  }
0x89: {  	v20 =	vld.idx.msk [tilespmem:v15+s17+$0x0], $0xffff  }
0x8a: {  	_ =	sdelay $0x2  }
0x8b: {  	vm0 =	vmand vm1, vm0  }
0x8c: {  	v22 =	vld.idx.msk [tilespmem:v15+s18+$0x0], $0xffff;
	s24 =	sadd.s32 $0x1, s24;
	vm14 =	veq.s32 v21, v14;
	vm2 =	vlt.f32 v18, v17  }
0x8d: {  	p0 =	sne.s32 s24, s25;
	vm1 =	vmand vm14, vm2  }
.Ltmp5:
0x8e: {  	v14 =	vsel vm1, v18, v17;
	(pc) =	sbr.rel @p0 .LBB2_5-.Ltmp5, $4  }
0x8f: {  	vm15 =	vle.f32 v14, v20  }
0x90: {  	v16 =	vsel vm1, v19, v16;
	v14 =	vsel vm15, v14, v20  }
0x91: {  	v16 =	vsel vm15, v16, v22;
	[tilespmem:v15+s17+$0x0] =	vst.idx.msk vm0, v14  }
0x92: {  	s26 =	sadd.s32 $0x800, s26;
	[tilespmem:v15+s18+$0x0] =	vst.idx.msk vm0, v16  }
.LBB2_8:
0x93: {  	s23 =	sand.u32 $0xFFFFFFF8, s23  }
0x94: {  	p0 =	sge.s32 s23, s22  }
.Ltmp6:
0x95: {  	_ = 	snop;
	(pc) =	sbr.rel @p0 .LBB2_12-.Ltmp6, $1  }
0x96: {  	_ =	sdelay $0x3  }
.LBB2_9:
0x97: {  	p0 =	slt.s32 s23, $0xFC000;
	s26 =	smov.u32 s23  }
0x98: {  	s26 =	simm.s32 @!p0 $0xFC000  }
0x99: {  	s24 =	smul.u32 $0x3, s26;
	_ =	sdelay $0x1  }
0x9a: {  	s24 =	sshrl.u32 s24, $0x3  }
0x9b: {  	s25 =	sadd.s32 s5, s24;
	s24 =	simm.s32 $0x0  }
0x9c: {  	[tilespmem:s19], [sflag:$0x1] =	stream.linear.gather [hbm4b:s25+s24], $0xC000, $0x38;
	[tilespmem:$0x12070] =	vst v63  }
0x9d: {  	_ =	swait.ge [sflag:s12], $0xC000  }
0x9e: {  	[sflag:s12] =	ssyncset.done $0x0  }
0x9f: {  	s25 =	simm.s32 $0x2000;
	[sflag:s12] =	ssyncadd.s32 $0xFFFF4000  }
0xa0: {  	s28 =	sadd.s32 $0x4000, s26;
	v16 =	vld [tilespmem:s25+$0x0]  }
0xa1: {  	v14 =	vmov s26;
	s26 =	simm.s32 $0x10;
	v15 =	vmov s28  }
.LBB2_10:
0xa2: {  	p0 =	sne.s32 s26, $0xFF0;
	_ =	sdelay $0x2  }
0xa3: {  	vm0 =	vge.s32 v16, v14;
	vm1 =	vlt.s32 v16, v15;
	v16 =	vsub.s32 v16, v14  }
0xa4: {  	v17 =	vmov s24;
	s24 =	smov.u32 s26;
	vm0 =	vmand vm0, vm1;
	v16 =	vmul.u32 $0x3, v16  }
0xa5: {  	v17 =	vmul.u32 $0x3, v17  }
0xa6: {  	v18 =	vadd.s32 $0x1, v16  }
0xa7: {  	v17 =	vbroadcast v17, $0x0;
	v19 =	vadd.s32 $0x2, v16;
	_ =	sdelay $0x1  }
0xa8: {  	v20 =	vadd.s32 v7, v17  }
0xa9: {  	v21 =	vadd.s32 v10, v17;
	v20 =	vand.u32 $0xFFFFFFF8, v20;
	v16 =	vld.idx.msk [tilespmem:v16+s19+$0x0], vm0  }
0xaa: {  	v17 =	vadd.s32 v12, v17;
	v21 =	vand.u32 $0xFFFFFFF8, v21;
	v20 =	vor.u32 v9, v20;
	v18 =	vld.idx.msk [tilespmem:v18+s19+$0x0], vm0  }
0xab: {  	v17 =	vand.u32 $0xFFFFFFF8, v17;
	v21 =	vor.u32 v11, v21;
	v19 =	vld.idx.msk [tilespmem:v19+s19+$0x0], vm0  }
0xac: {  	v17 =	vor.u32 v13, v17;
	_ =	sdelay $0x2  }
.Ltmp7:
0xad: {  	[tilespmem:v20+s20+$0x0] =	vst.idx.msk vm0, v16;
	(pc) =	sbr.rel @p0 .LBB2_10-.Ltmp7, $4  }
0xae: {  	[tilespmem:v21+s20+$0x0] =	vst.idx.msk vm0, v18  }
0xaf: {  	s25 =	sadd.s32 $0x10, s25;
	[tilespmem:v17+s20+$0x0] =	vst.idx.msk vm0, v19  }
0xb0: {  	v16 =	vld [tilespmem:s25+$0x0]  }
0xb1: {  	s26 =	sadd.s32 $0x10, s26  }
0xb2: {  	_ =	sdelay $0x2  }
0xb3: {  	vm0 =	vge.s32 v16, v14  }
0xb4: {  	vm1 =	vlt.s32 v16, v15;
	v14 =	vsub.s32 v16, v14;
	v15 =	vmov s24  }
0xb5: {  	vm0 =	vmand vm0, vm1;
	v14 =	vmul.u32 $0x3, v14;
	v15 =	vmul.u32 $0x3, v15;
	_ =	sdelay $0x1  }
0xb6: {  	v63 =	vadd.s32 $0x1, v14;
	v15 =	vbroadcast v15, $0x0  }
0xb7: {  	v17 =	vadd.s32 $0x2, v14  }
0xb8: {  	v18 =	vadd.s32 v7, v15  }
0xb9: {  	v19 =	vadd.s32 v10, v15;
	v18 =	vand.u32 $0xFFFFFFF8, v18  }
0xba: {  	v15 =	vadd.s32 v12, v15;
	v19 =	vand.u32 $0xFFFFFFF8, v19;
	v14 =	vld.idx.msk [tilespmem:v14+s19+$0x0], vm0;
	v18 =	vor.u32 v9, v18  }
0xbb: {  	s23 =	sadd.s32 $0x4000, s23;
	v15 =	vand.u32 $0xFFFFFFF8, v15;
	v19 =	vor.u32 v11, v19;
	v16 =	vld.idx.msk [tilespmem:v63+s19+$0x0], vm0  }
0xbc: {  	p0 =	slt.s32 s23, s22;
	v15 =	vor.u32 v13, v15;
	v17 =	vld.idx.msk [tilespmem:v17+s19+$0x0], vm0  }
.Ltmp8:
0xbd: {  	_ = 	snop;
	(pc) =	sbr.rel @p0 .LBB2_9-.Ltmp8, $4  }
.Ltmp9:
0xbe: {  	_ = 	snop;
	(pc) =	sbr.rel @!p0 .LBB2_12-.Ltmp9, $4  }
0xbf: {  	[tilespmem:v18+s20+$0x0] =	vst.idx.msk vm0, v14  }
0xc0: {  	[tilespmem:v19+s20+$0x0] =	vst.idx.msk vm0, v16  }
0xc1: {  	[tilespmem:v15+s20+$0x0] =	vst.idx.msk vm0, v17  }
0xc2: {  	_ = 	snop  }
.LBB2_13:
0xc3: {  	_ =	sfence.sel $0x180000  }
0xc4: {  	[bflag:$0x0] =	sbarrier.arrive $0xFFFF  }
0xc5: {  	p0 =	sne.s32 s0, $0x0;
	_ =	strace $0x9000004D  }
0xc6: {  	s0 =	sadd.s32 @!p0 $0x100000, s3;
	[bflag:$0x2] =	sbarrier.arrive $0xFFFF  }
0xc7: {  	[sflag:s0] =	ssyncadd.tile.s32 @!p0 $0x1;
	_ =	shalt  }
.Lfunc_end2:
_tile_overlayer_lowered:
.L_overlay_start_2:
0xc8: {  	(tag) =	ssettag $0x2  }
0xc9: {  	s0 =	rddreg [dreg:$0x0];
	s2 =	stileid.u32  }
0xca: {  	s1 =	rddreg [dreg:$0x1];
	p0 =	sne.s32 s2, $0x0  }
0xcb: {  	s3 =	rddreg [dreg:$0x2];
	[bflag:$0x3] =	sbarrier.arrive $0xFFFF;
	s2 =	simm.s32 @!p0 $0x1C01  }
0xcc: {  	[timem:s3], [sflag:s2] =	dma.local @!p0 [hbm:s0], s1  }
0xcd: {  	s0 =	simm.s32 @!p0 $0x1  }
0xce: {  	_ =	swait.ge @!p0 [sflag:s0], s1  }
0xcf: {  	s1 =	ssub.s32 @!p0 $0x0, s1;
	[sflag:s0] =	ssyncset.done @!p0 $0x0  }
0xd0: {  	[sflag:s0] =	ssyncadd.s32 @!p0 s1  }
0xd1: {  	[bflag:$0x3] =	sbarrier.arrive $0xFFFF  }
0xd2: {  	_ =	shalt  }

// kernel: _run.5.cloned.1.call-start
scs
__scs_entry_jumppad:
0x0: {  	(pc) =	sbr.rel $0x88, $3  }
0x1: {  	(tag) =	ssettag $0x0;
	lr =	simm.s32 $0x1  }
0x2: {  	[smem:$0x3F9F] =	sst lr;
	_ =	strace $0xD0000000  }
0x3: {  	_ = 	snop  }
0x4: {  	_ = 	snop  }
0x5: {  	_ = 	snop  }
0x6: {  	_ = 	snop  }
0x7: {  	_ = 	snop  }
__scs_overlays_trampoline_lowered:
0x8: {  	[smem:$0x3FAE] =	sst s0  }
0x9: {  	[smem:$0x3FAF] =	sst s1  }
0xa: {  	[smem:$0x3FB0] =	sst s2  }
0xb: {  	[smem:$0x3FB1] =	sst s3  }
0xc: {  	[smem:$0x3FB2] =	sst s4  }
0xd: {  	[smem:$0x3FB3] =	sst s5  }
0xe: {  	[smem:$0x3FB4] =	sst s6  }
0xf: {  	[smem:$0x3FB5] =	sst s7  }
0x10: {  	[smem:$0x3FB6] =	sst s8  }
0x11: {  	[smem:$0x3FB7] =	sst s9;
	s0 =	simm.s32 @!p0 $0x0  }
0x12: {  	s1 =	sld [smem:$0x3F9D];
	s0 =	simm.s32 @p0 $0x1  }
0x13: {  	[smem:$0x3FB8] =	sst s0;
	s0 =	simm.s32 @!p1 $0x0  }
0x14: {  	s2 =	sld [smem:$0x3F9C];
	s0 =	simm.s32 @p1 $0x1  }
0x15: {  	[smem:$0x3FB9] =	sst s0;
	s0 =	simm.s32 @!p2 $0x0  }
0x16: {  	s3 =	sld [smem:$0x3FDB];
	s0 =	simm.s32 @p2 $0x1  }
0x17: {  	s4 =	simm.s32 $0x1BF5;
	[smem:$0x3FBB] =	sst s0  }
0x18: {  	s0 =	sld [smem:$0x3F9E];
	_ =	swait.ge [sflag:s4], $0x0  }
0x19: {  	s7 =	sld [smem:$0x3F9F]  }
0x1a: {  	s8 =	sadd.s32 $0xFFFFE003, lr  }
0x1b: {  	s9 =	sadd.s32 $0xFFFFFEF7, lr;
	s5 =	simm.s32 $0xFFFFFFFF;
	p2 =	slt.u32 s8, $0xFFFFF086  }
0x1c: {  	p1 =	slt.u32 s9, $0xF7A;
	s5 =	simm.s32 @!p2 $0x0  }
0x1d: {  	s5 =	simm.s32 @p1 $0x1;
	p0 =	seq.s32 s7, s2  }
0x1e: {  	s7 =	smul.u32 @!p0 $0xF7A, s2;
	p2 =	seq.s32 @!p0 s5, $0x0  }
0x1f: {  	s9 =	smul.u32 $0xF7A, s1;
	s8 =	simm.s32 @!p0 $0x1BF5;
	p2 =	por !p2, p0  }
0x20: {  	[sflag:s8] =	ssyncset.s32 @!p0 $0xFFFFF086;
	s6 =	sadd.s32 @!p0 s3, s7;
	s7 =	simm.s32 @!p0 $0x108  }
0x21: {  	s3 =	sadd.s32 s3, s9;
	s6 =	sadd.s32 @!p0 $0x88, s6;
	s7 =	simm.s32 @p2 $0x1082  }
0x22: {  	[simem:s7], [sflag:s8] =	dma.local @!p0 [hbm:s6], $0xF7A  }
0x23: {  	s9 =	sor.u32 $0xD0000000, s2;
	s6 =	simm.s32 $0x108;
	_ =	swait.ge @!p0 [sflag:s8], $0x0  }
0x24: {  	s3 =	sadd.s32 $0x88, s3;
	s6 =	simm.s32 @!p1 $0x1082;
	[sflag:s4] =	ssyncset.s32 $0xFFFFF086  }
0x25: {  	[simem:s6], [sflag:s4] =	dma.local [hbm:s3], $0xF7A  }
0x26: {  	[smem:$0x3F9F] =	sst s1;
	(tag) =	ssettag s2;
	_ =	strace s9  }
0x27: {  	s1 =	sld [smem:$0x3FAF]  }
0x28: {  	s2 =	sld [smem:$0x3FB0]  }
0x29: {  	s4 =	sld [smem:$0x3FB2]  }
0x2a: {  	p0 =	seq.s32 s5, $0x0;
	s5 =	sld [smem:$0x3FB3]  }
0x2b: {  	s6 =	sld [smem:$0x3FB4]  }
0x2c: {  	s7 =	sld [smem:$0x3FB5]  }
0x2d: {  	s3 =	simm.s32 $0x108;
	s8 =	sld [smem:$0x3FB6]  }
0x2e: {  	s3 =	simm.s32 @!p0 $0x1082;
	s9 =	sld [smem:$0x3FB7]  }
0x2f: {  	lr =	sadd.s32 s0, s3;
	s0 =	sld [smem:$0x3FAE]  }
0x30: {  	s3 =	sld [smem:$0x3FB1]  }
0x31: {  	[smem:$0x3FBA] =	sst s10  }
0x32: {  	s10 =	sld [smem:$0x3FB8];
	_ =	sdelay $0x3  }
0x33: {  	p0 =	seq.s32 s10, $0x1;
	s10 =	sld [smem:$0x3FBA];
	_ =	sdelay $0x3  }
0x34: {  	[smem:$0x3FBA] =	sst s10  }
0x35: {  	s10 =	sld [smem:$0x3FB9];
	_ =	sdelay $0x3  }
0x36: {  	p1 =	seq.s32 s10, $0x1;
	s10 =	sld [smem:$0x3FBA];
	_ =	sdelay $0x3  }
0x37: {  	[smem:$0x3FBA] =	sst s10  }
0x38: {  	s10 =	sld [smem:$0x3FBB]  }
0x39: {  	_ = 	snop;
	(pc) =	sbr.ind lr, $3  }
0x3a: {  	_ = 	snop  }
0x3b: {  	_ = 	snop  }
0x3c: {  	p2 =	seq.s32 s10, $0x1;
	s10 =	sld [smem:$0x3FBA]  }
0x3d: {  	_ =	shalt  }
0x3e: {  	_ =	shalt  }
0x3f: {  	_ =	shalt  }
0x40: {  	_ =	shalt  }
0x41: {  	_ =	shalt  }
0x42: {  	_ =	shalt  }
0x43: {  	_ =	shalt  }
0x44: {  	_ =	shalt  }
0x45: {  	_ =	shalt  }
0x46: {  	_ =	shalt  }
0x47: {  	_ =	shalt  }
0x48: {  	_ =	shalt  }
0x49: {  	_ =	shalt  }
0x4a: {  	_ =	shalt  }
0x4b: {  	_ =	shalt  }
0x4c: {  	_ =	shalt  }
0x4d: {  	_ =	shalt  }
0x4e: {  	_ =	shalt  }
0x4f: {  	_ =	shalt  }
0x50: {  	_ =	shalt  }
0x51: {  	_ =	shalt  }
0x52: {  	_ =	shalt  }
0x53: {  	_ =	shalt  }
0x54: {  	_ =	shalt  }
0x55: {  	_ =	shalt  }
0x56: {  	_ =	shalt  }
0x57: {  	_ =	shalt  }
0x58: {  	_ =	shalt  }
0x59: {  	_ =	shalt  }
0x5a: {  	_ =	shalt  }
0x5b: {  	_ =	shalt  }
0x5c: {  	_ =	shalt  }
0x5d: {  	_ =	shalt  }
0x5e: {  	_ =	shalt  }
0x5f: {  	_ =	shalt  }
0x60: {  	_ =	shalt  }
0x61: {  	_ =	shalt  }
0x62: {  	_ =	shalt  }
0x63: {  	_ =	shalt  }
0x64: {  	_ =	shalt  }
0x65: {  	_ =	shalt  }
0x66: {  	_ =	shalt  }
0x67: {  	_ =	shalt  }
0x68: {  	_ =	shalt  }
0x69: {  	_ =	shalt  }
0x6a: {  	_ =	shalt  }
0x6b: {  	_ =	shalt  }
0x6c: {  	_ =	shalt  }
0x6d: {  	_ =	shalt  }
0x6e: {  	_ =	shalt  }
0x6f: {  	_ =	shalt  }
0x70: {  	_ =	shalt  }
0x71: {  	_ =	shalt  }
0x72: {  	_ =	shalt  }
0x73: {  	_ =	shalt  }
0x74: {  	_ =	shalt  }
0x75: {  	_ =	shalt  }
0x76: {  	_ =	shalt  }
0x77: {  	_ =	shalt  }
0x78: {  	_ =	shalt  }
0x79: {  	_ =	shalt  }
0x7a: {  	_ =	shalt  }
0x7b: {  	_ =	shalt  }
0x7c: {  	_ =	shalt  }
0x7d: {  	_ =	shalt  }
0x7e: {  	_ =	shalt  }
0x7f: {  	_ =	shalt  }
0x80: {  	_ =	shalt  }
0x81: {  	_ =	shalt  }
0x82: {  	_ =	shalt  }
0x83: {  	_ =	shalt  }
0x84: {  	_ =	shalt  }
0x85: {  	_ =	shalt  }
0x86: {  	_ =	shalt  }
0x87: {  	_ =	shalt  }
.Lfunc_end0:
.L_simem_size_0:
called_computation_lowered:
.L_overlay_start_0:
0x88: {  	s2 =	sld [smem:$0x3FD9]  }
0x89: {  	s3 =	sld [smem:$0x3FFE];
	_ =	sdelay $0x1  }
0x8a: {  	s1 =	srdreg.scid  }
0x8b: {  	s0 =	sand.u32 $0x1, s1  }
0x8c: {  	s14 =	sshll.u32 s0, $0xA;
	s2 =	sadd.s32 s3, s2  }
0x8d: {  	s2 =	sadd.s32 s2, s14  }
0x8e: {  	[smem:$0x3FC6] =	sst s2  }
0x8f: {  	_ = 	snop  }
0x90: {  	s2 =	sld [smem:$0x3FD0];
	_ =	sdelay $0x2  }
0x91: {  	s4 =	simm.s32 $0xA;
	s5 =	simm.s32 $0x10;
	s15 =	sld [smem:$0x3FC8]  }
0x92: {  	[smem:s5], [sflag:s4] =	dma.local [hbm:s2], $0x1  }
0x93: {  	_ =	swait.eq [sflag:s4], $0x1  }
0x94: {  	[sflag:s4] =	ssyncset.done $0x0  }
0x95: {  	[sflag:s4] =	ssyncadd.s32 $0xFFFFFFFF  }
0x96: {  	s16 =	sld [smem:$0x10];
	(tm) =	ssettm $0x1  }
0x97: {  	s17 =	sld [smem:$0x3FFB];
	_ =	sdelay $0x3  }
0x98: {  	_ =	strace s17  }
0x99: {  	s4 =	sld [smem:$0x3FFC];
	_ =	sdelay $0x3  }
0x9a: {  	_ =	strace s4  }
0x9b: {  	s4 =	sld [smem:$0x3FFD];
	_ =	sdelay $0x3  }
0x9c: {  	_ =	strace s4  }
0x9d: {  	_ =	strace $0x8FFFFFFF  }
0x9e: {  	s18 =	sld [smem:$0x3FDB];
	_ =	sdelay $0x1  }
0x9f: {  	s19 =	simm.s32 $_scs_section_size  }
0xa0: {  	s6 =	simm.s32 $_size__tile_overlayer_lowered;
	s7 =	simm.s32 $_tile_overlayer_lowered  }
0xa1: {  	s22 =	simm.s32 $0x1BFF;
	s21 =	sshll.u32 s7, $0x1;
	s4 =	sadd.s32 s19, s18  }
0xa2: {  	s8 =	simm.s32 $0x0;
	s20 =	sshll.u32 s6, $0x1;
	s6 =	sadd.s32 s21, s4  }
0xa3: {  	[timem:s8], [sflag:s22] =	dma.local [hbm:s6], s20  }
0xa4: {  	_ =	swait.ge [sflag:s22], s20  }
0xa5: {  	s5 =	ssub.s32 $0x0, s20;
	[sflag:s22] =	ssyncset.done $0x0  }
0xa6: {  	[sflag:s22] =	ssyncadd.s32 s5;
	_ =	sdelay $0x1  }
0xa7: {  	s23 =	simm.s32 $0x1B8B  }
0xa8: {  	_ =	swait.ge [sflag:s23], $0x1  }
0xa9: {  	[sflag:s23] =	ssyncset.done $0x0  }
0xaa: {  	s25 =	simm.s32 $0x1B8E;
	s24 =	sld [smem:$0x3FFE];
	[sflag:s23] =	ssyncadd.s32 $0xFFFFFFFF  }
0xab: {  	s26 =	simm.s32 $execute0_lowered;
	[smem:$0x3FD2] =	sst s25  }
0xac: {  	s6 =	sshll.u32 s26, $0x1;
	_ =	strace $0x80000046;
	[dreg:$0x1] =	wrdreg $0xFFFFFFFF  }
0xad: {  	s28 =	simm.s32 $_size_execute0_lowered;
	s4 =	sadd.s32 s4, s6;
	[dreg:$0x0] =	wrdreg $0x0  }
0xae: {  	s6 =	sshll.u32 s28, $0x1;
	[dreg:$0x2] =	wrdreg s4  }
0xaf: {  	[dreg:$0x3] =	wrdreg s6  }
0xb0: {  	[dreg:$0x4] =	wrdreg $0xC0  }
0xb1: {  	_ =	task [dreg:s8], $0x5FFFF  }
0xb2: {  	[dreg:$0x1] =	wrdreg $0xFFFFFFFF  }
0xb3: {  	[dreg:$0x0] =	wrdreg $0x60  }
0xb4: {  	[dreg:$0x2] =	wrdreg s24  }
0xb5: {  	[dreg:$0x3] =	wrdreg s15  }
0xb6: {  	[dreg:$0x4] =	wrdreg s16  }
0xb7: {  	[dreg:$0x5] =	wrdreg $0x9  }
0xb8: {  	_ =	task.clear_ibuf [dreg:s8], $0x6FFFF;
	_ =	strace $0x90000046  }
0xb9: {  	s29 =	simm.s32 $0x9;
	_ =	strace $0x80000048  }
0xba: {  	_ =	swait.ge [sflag:s29], $0x1  }
0xbb: {  	[sflag:s29] =	ssyncadd.s32 $0xFFFFFFFF  }
0xbc: {  	_ =	strace $0x90000048  }
0xbd: {  	_ =	sfence  }
0xbe: {  	s30 =	sld [smem:$0x0];
	_ =	sdelay $0x2  }
0xbf: {  	s31 =	sshll.u32 s1, $0xD;
	s1 =	sshrl.u32 s1, $0x2  }
0xc0: {  	s3 =	sand.u32 $0x4000, s31;
	s1 =	sadd.s32 s1, s30  }
0xc1: {  	s0 =	sor.u32 s3, s0;
	s1 =	sshll.u32 s1, $0x11  }
0xc2: {  	s0 =	sor.u32 s1, s0  }
0xc3: {  	s0 =	sadd.s32 $0x8F2B, s0  }
0xc4: {  	[sflag:s0] =	ssyncadd.remote.s32 $0x1  }
0xc5: {  	_ =	sfence.sel $0xFFFF  }
0xc6: {  	[dreg:$0x0] =	wrdreg $0xFFFFFFFF;
	(pc) =	sbr.abs _section_cstart, $3  }
0xc7: {  	[dreg:$0x1] =	wrdreg $0xFFFFFFFF  }
0xc8: {  	_ =	task.clear_ibuf [dreg:s8], $0x2FFFF;
	_ =	strace $0x9FFFFFFF  }
0xc9: {  	(tm) =	ssettm $0x7FFFFFFF  }
tec
execute0_lowered:
.L_overlay_start_1:
0x0: {  	(tag) =	ssettag $0x1  }
0x1: {  	s6 =	rddreg [dreg:$0x0]  }
0x2: {  	s1 =	rddreg [dreg:$0x1]  }
0x3: {  	s7 =	rddreg [dreg:$0x2]  }
0x4: {  	s0 =	rddreg [dreg:$0x3];
	s3 =	simm.s32 $0x0;
	s4 =	srdreg.scid  }
0x5: {  	s2 =	stileid.u32;
	s13 =	simm.s32 $0x1;
	s14 =	simm.s32 $0x800  }
0x6: {  	s15 =	simm.s32 $0x2000;
	s16 =	simm.s32 $0x3000;
	s17 =	simm.s32 $0x4000  }
0x7: {  	s18 =	simm.s32 $0x5000;
	s19 =	simm.s32 $0x0;
	[smem:$0x7FF] =	sst s3  }
0x8: {  	v1 =	vimm.s32 $0x52741630;
	s5 =	sand.u32 $0x1, s4;
	s8 =	sshll.u32 s2, $0x1;
	s4 =	sadd.s32 $0x1001200, s6  }
.Ltmp0:
0x9: {  	v0 =	vlaneseq.u32;
	v2 =	vimm.s32 $0x63052741;
	v4 =	vimm.s32 $0x74163052;
	s9 =	ssub.s32 $0x2, s5;
	s5 =	sor.u32 s5, s8;
	(pc) =	sbr.rel .LBB2_1-.Ltmp0, $4  }
0xa: {  	v8 =	vimm.f32 $1.000000000e+00;
	s6 =	sadd.s32 $0x1000, s6;
	v0 =	vmul.u32 $0x3, v0;
	v3 =	vunpack.c.l.s4.s8 v1;
	_ =	strace $0x80000047;
	s10 =	sshll.u32 s5, $0x9  }
0xb: {  	v5 =	vunpack.c.l.s4.s8 v2;
	v2 =	vimm.f32 $0.0e+00;
	v7 =	vunpack.c.l.s4.s8 v4;
	s31 =	sshrl.u32 s9, $0x1;
	s12 =	sshll.u32 s5, $0xC;
	s7 =	sadd.s32 s7, s10  }
0xc: {  	v3 =	vunpack.c.0.s8.s32 v3;
	v4 =	vadd.s32 $0x1, v0;
	s11 =	ssub.s32 s9, s31;
	v1 =	vmov s12;
	s12 =	simm.s32 $0x6000;
	s8 =	sadd.s32 $0x4000, s7  }
0xd: {  	v5 =	vunpack.c.0.s8.s32 v5;
	v6 =	vadd.s32 $0x2, v0;
	v7 =	vunpack.c.0.s8.s32 v7;
	s9 =	sadd.s32 $0x8000, s7;
	s10 =	sadd.s32 $0xC000, s7;
	s11 =	smax.u32 s11, $0x1  }
.LBB2_7:
0xe: {  	[hbm4b:s7+s3] =	stream.linear.scatter [tilespmem:s15], [sflag:$0x1], $0x1000, $0x38;
	[tilespmem:$0x6040] =	vst v63  }
0xf: {  	_ =	swait.ge [sflag:s13], $0x1000  }
0x10: {  	[sflag:s13] =	ssyncset.done $0x0  }
0x11: {  	[sflag:s13] =	ssyncadd.s32 $0xFFFFF000  }
0x12: {  	[hbm4b:s8+s3] =	stream.linear.scatter [tilespmem:s16], [sflag:$0x1], $0x1000, $0x38;
	[tilespmem:$0x6040] =	vst v63  }
0x13: {  	_ =	swait.ge [sflag:s13], $0x1000  }
0x14: {  	[sflag:s13] =	ssyncset.done $0x0  }
0x15: {  	[sflag:s13] =	ssyncadd.s32 $0xFFFFF000  }
0x16: {  	[hbm4b:s9+s3] =	stream.linear.scatter [tilespmem:s17], [sflag:$0x1], $0x1000, $0x38;
	[tilespmem:$0x6040] =	vst v63  }
0x17: {  	s19 =	sadd.s32 $0x1, s19;
	_ =	swait.ge [sflag:s13], $0x1000  }
0x18: {  	p0 =	sne.s32 s19, s11;
	[sflag:s13] =	ssyncset.done $0x0  }
.Ltmp1:
0x19: {  	[sflag:s13] =	ssyncadd.s32 $0xFFFFF000;
	(pc) =	sbr.rel @!p0 .LBB2_8-.Ltmp1, $4  }
0x1a: {  	[hbm4b:s10+s3] =	stream.linear.scatter [tilespmem:s18], [sflag:$0x1], $0x1000, $0x38;
	[tilespmem:$0x6040] =	vst v63  }
0x1b: {  	_ =	swait.ge [sflag:s13], $0x1000  }
0x1c: {  	[sflag:s13] =	ssyncset.done $0x0  }
0x1d: {  	[sflag:s13] =	ssyncadd.s32 $0xFFFFF000  }
.LBB2_1:
0x1e: {  	[tilespmem:s12], [sflag:$0x1] =	stream.linear.gather [hbm4b:s6+s3], $0x40, $0x38;
	[tilespmem:$0x6040] =	vst v63  }
0x1f: {  	_ =	swait.ge [sflag:s13], $0x40  }
0x20: {  	[sflag:s13] =	ssyncset.done $0x0  }
0x21: {  	[sflag:s13] =	ssyncadd.s32 $0xFFFFFFC0  }
0x22: {  	s21 =	simm.s32 $0x40;
	s20 =	simm.s32 $0x0;
	v9 =	vld [tilespmem:s5+$0x6000]  }
.LBB2_2:
0x23: {  	p0 =	seq.s32 s21, $0x3FC0;
	[tilespmem:s20+$0x5000] =	vst v2;
	s22 =	smov.u32 s21;
	s21 =	sadd.s32 $0x40, s21  }
.Ltmp2:
0x24: {  	[tilespmem:s20+$0x4000] =	vst v2;
	(pc) =	sbr.rel @!p0 .LBB2_2-.Ltmp2, $3  }
0x25: {  	[tilespmem:s20+$0x2000] =	vst v2  }
0x26: {  	[tilespmem:s20+$0x3000] =	vst v2;
	_ =	sdelay $0x1  }
0x27: {  	s20 =	sshra.s32 s22, $0x2  }
0x28: {  	(v2sf) =	vpush v9, $0x0  }
0x29: {  	(v2sf) =	vpush v9, $0x1;
	_ =	sdelay $0xd  }
0x2a: {  	[tilespmem:s20+$0x5000] =	vst v2;
	s31 =	spop (v2sf)  }
0x2b: {  	[tilespmem:s20+$0x4000] =	vst v2;
	s21 =	spop (v2sf)  }
0x2c: {  	[tilespmem:s20+$0x2000] =	vst v2;
	s21 =	sadd.s32 $0x7FF, s21  }
0x2d: {  	[tilespmem:s20+$0x3000] =	vst v2;
	s20 =	sshrl.u32 s31, $0xB;
	s21 =	sshrl.u32 s21, $0xB  }
0x2e: {  	p0 =	slt.u32 s20, s21  }
.Ltmp3:
0x2f: {  	_ = 	snop;
	(pc) =	sbr.rel @!p0 .LBB2_7-.Ltmp3, $1  }
0x30: {  	_ =	sdelay $0x3  }
.LBB2_4:
0x31: {  	s22 =	sshll.u32 s20, $0x8  }
0x32: {  	s22 =	sand.u32 $0x1FFFFF00, s22  }
0x33: {  	s31 =	smul.u32 $0x1800, s20;
	s23 =	sadd.s32 s1, s22;
	s22 =	simm.s32 $0x0  }
0x34: {  	[tilespmem:s22], [sflag:$0x1] =	stream.linear.gather [hbm4b:s23+s22], $0x800, $0x38;
	[tilespmem:$0x6040] =	vst v63  }
0x35: {  	_ =	swait.ge [sflag:s13], $0x800  }
0x36: {  	s23 =	sshrl.u32 s31, $0x3;
	v9 =	vadd.s32 s22, v6;
	[sflag:s13] =	ssyncset.done $0x0  }
0x37: {  	v10 =	vadd.s32 s22, v4;
	s23 =	sadd.s32 s4, s23;
	v9 =	vand.u32 $0x3FF8, v9;
	[sflag:s13] =	ssyncadd.s32 $0xFFFFF800  }
0x38: {  	v11 =	vadd.s32 s22, v0;
	v10 =	vand.u32 $0x3FF8, v10;
	v9 =	vor.u32 v7, v9;
	[tilespmem:s14], [sflag:$0x1] =	stream.linear.gather [hbm4b:s23+s22], $0x1800, $0x38;
	[tilespmem:$0x6040] =	vst v63  }
0x39: {  	v11 =	vand.u32 $0x3FF8, v11;
	v10 =	vor.u32 v5, v10;
	_ =	swait.ge [sflag:s13], $0x1800  }
0x3a: {  	v11 =	vor.u32 v3, v11;
	[sflag:s13] =	ssyncset.done $0x0  }
0x3b: {  	[sflag:s13] =	ssyncadd.s32 $0xFFFFE800  }
0x3c: {  	v12 =	vld [tilespmem:s22+$0x0]  }
0x3d: {  	v9 =	vld.idx.msk [tilespmem:v9+s14+$0x0], $0xffff  }
0x3e: {  	v10 =	vld.idx.msk [tilespmem:v10+s14+$0x0], $0xffff  }
0x3f: {  	s23 =	simm.s32 $0x30;
	v11 =	vld.idx.msk [tilespmem:v11+s14+$0x0], $0xffff  }
.LBB2_5:
0x40: {  	p0 =	sne.s32 s23, $0x17D0  }
0x41: {  	v12 =	vsub.s32 v12, v1  }
0x42: {  	vm0 =	vgt.s32 v12, $0x0  }
0x43: {  	vm1 =	vlt.u32 v12, $0x1000;
	v12 =	vnsel vm0, $0x0, v12  }
0x44: {  	v12 =	vmin.u32 v12, $0xFFF;
	_ =	sdelay $0x2  }
0x45: {  	v13 =	vadd.s32 s23, v6  }
0x46: {  	v14 =	vadd.s32 s23, v4;
	v13 =	vand.u32 $0x3FF8, v13  }
0x47: {  	v15 =	vadd.s32 s23, v0;
	v14 =	vand.u32 $0x3FF8, v14;
	v13 =	vor.u32 v7, v13;
	[tilespmem:v12+s15+$0x0] =	vst.idx.add.f32.msk vm1, v11  }
0x48: {  	v14 =	vor.u32 v5, v14;
	v11 =	vand.u32 $0x3FF8, v15;
	[tilespmem:v12+s16+$0x0] =	vst.idx.add.f32.msk vm1, v10  }
0x49: {  	v11 =	vor.u32 v3, v11;
	[tilespmem:v12+s17+$0x0] =	vst.idx.add.f32.msk vm1, v9  }
.Ltmp4:
0x4a: {  	s22 =	sadd.s32 $0x10, s22;
	[tilespmem:v12+s18+$0x0] =	vst.idx.add.f32.msk vm1, v8;
	(pc) =	sbr.rel @p0 .LBB2_5-.Ltmp4, $4  }
0x4b: {  	v12 =	vld [tilespmem:s22+$0x0]  }
0x4c: {  	v9 =	vld.idx.msk [tilespmem:v13+s14+$0x0], $0xffff  }
0x4d: {  	v10 =	vld.idx.msk [tilespmem:v14+s14+$0x0], $0xffff  }
0x4e: {  	s23 =	sadd.s32 $0x30, s23;
	v11 =	vld.idx.msk [tilespmem:v11+s14+$0x0], $0xffff  }
0x4f: {  	_ = 	snop  }
0x50: {  	v12 =	vsub.s32 v12, v1  }
0x51: {  	vm0 =	vgt.s32 v12, $0x0  }
0x52: {  	vm1 =	vlt.u32 v12, $0x1000;
	v12 =	vnsel vm0, $0x0, v12  }
0x53: {  	v12 =	vmin.u32 v12, $0xFFF;
	_ =	sdelay $0x1  }
0x54: {  	s20 =	sadd.s32 $0x1, s20  }
0x55: {  	p0 =	sne.s32 s20, s21  }
.Ltmp5:
0x56: {  	_ = 	snop;
	(pc) =	sbr.rel @p0 .LBB2_4-.Ltmp5, $4  }
.Ltmp6:
0x57: {  	[tilespmem:v12+s15+$0x0] =	vst.idx.add.f32.msk vm1, v11;
	(pc) =	sbr.rel @!p0 .LBB2_7-.Ltmp6, $4  }
0x58: {  	[tilespmem:v12+s16+$0x0] =	vst.idx.add.f32.msk vm1, v10  }
0x59: {  	[tilespmem:v12+s17+$0x0] =	vst.idx.add.f32.msk vm1, v9  }
0x5a: {  	[tilespmem:v12+s18+$0x0] =	vst.idx.add.f32.msk vm1, v8  }
0x5b: {  	_ = 	snop  }
.LBB2_8:
0x5c: {  	_ =	sfence.sel $0x180000  }
0x5d: {  	[bflag:$0x0] =	sbarrier.arrive $0xFFFF  }
0x5e: {  	p0 =	sne.s32 s2, $0x0;
	_ =	strace $0x90000047  }
0x5f: {  	s0 =	sadd.s32 @!p0 $0x100000, s0;
	[bflag:$0x2] =	sbarrier.arrive $0xFFFF  }
0x60: {  	[sflag:s0] =	ssyncadd.tile.s32 @!p0 $0x1;
	_ =	shalt  }
.Lfunc_end2:
_tile_overlayer_lowered:
.L_overlay_start_2:
0x61: {  	(tag) =	ssettag $0x2  }
0x62: {  	s0 =	rddreg [dreg:$0x0];
	s2 =	stileid.u32  }
0x63: {  	s1 =	rddreg [dreg:$0x1];
	p0 =	sne.s32 s2, $0x0  }
0x64: {  	s3 =	rddreg [dreg:$0x2];
	[bflag:$0x3] =	sbarrier.arrive $0xFFFF;
	s2 =	simm.s32 @!p0 $0x1C01  }
0x65: {  	[timem:s3], [sflag:s2] =	dma.local @!p0 [hbm:s0], s1  }
0x66: {  	s0 =	simm.s32 @!p0 $0x1  }
0x67: {  	_ =	swait.ge @!p0 [sflag:s0], s1  }
0x68: {  	s1 =	ssub.s32 @!p0 $0x0, s1;
	[sflag:s0] =	ssyncset.done @!p0 $0x0  }
0x69: {  	[sflag:s0] =	ssyncadd.s32 @!p0 s1  }
0x6a: {  	[bflag:$0x3] =	sbarrier.arrive $0xFFFF  }
0x6b: {  	_ =	shalt  }

// kernel: _run.8.cloned.1.call-start
scs
__scs_entry_jumppad:
0x0: {  	(pc) =	sbr.rel $0x88, $3  }
0x1: {  	(tag) =	ssettag $0x0;
	lr =	simm.s32 $0x1  }
0x2: {  	[smem:$0x3F9F] =	sst lr;
	_ =	strace $0xD0000000  }
0x3: {  	_ = 	snop  }
0x4: {  	_ = 	snop  }
0x5: {  	_ = 	snop  }
0x6: {  	_ = 	snop  }
0x7: {  	_ = 	snop  }
__scs_overlays_trampoline_lowered:
0x8: {  	[smem:$0x3FAE] =	sst s0  }
0x9: {  	[smem:$0x3FAF] =	sst s1  }
0xa: {  	[smem:$0x3FB0] =	sst s2  }
0xb: {  	[smem:$0x3FB1] =	sst s3  }
0xc: {  	[smem:$0x3FB2] =	sst s4  }
0xd: {  	[smem:$0x3FB3] =	sst s5  }
0xe: {  	[smem:$0x3FB4] =	sst s6  }
0xf: {  	[smem:$0x3FB5] =	sst s7  }
0x10: {  	[smem:$0x3FB6] =	sst s8  }
0x11: {  	[smem:$0x3FB7] =	sst s9;
	s0 =	simm.s32 @!p0 $0x0  }
0x12: {  	s1 =	sld [smem:$0x3F9D];
	s0 =	simm.s32 @p0 $0x1  }
0x13: {  	[smem:$0x3FB8] =	sst s0;
	s0 =	simm.s32 @!p1 $0x0  }
0x14: {  	s2 =	sld [smem:$0x3F9C];
	s0 =	simm.s32 @p1 $0x1  }
0x15: {  	[smem:$0x3FB9] =	sst s0;
	s0 =	simm.s32 @!p2 $0x0  }
0x16: {  	s3 =	sld [smem:$0x3FDB];
	s0 =	simm.s32 @p2 $0x1  }
0x17: {  	s4 =	simm.s32 $0x1BF5;
	[smem:$0x3FBB] =	sst s0  }
0x18: {  	s0 =	sld [smem:$0x3F9E];
	_ =	swait.ge [sflag:s4], $0x0  }
0x19: {  	s7 =	sld [smem:$0x3F9F]  }
0x1a: {  	s8 =	sadd.s32 $0xFFFFE003, lr  }
0x1b: {  	s9 =	sadd.s32 $0xFFFFFEF7, lr;
	s5 =	simm.s32 $0xFFFFFFFF;
	p2 =	slt.u32 s8, $0xFFFFF086  }
0x1c: {  	p1 =	slt.u32 s9, $0xF7A;
	s5 =	simm.s32 @!p2 $0x0  }
0x1d: {  	s5 =	simm.s32 @p1 $0x1;
	p0 =	seq.s32 s7, s2  }
0x1e: {  	s7 =	smul.u32 @!p0 $0xF7A, s2;
	p2 =	seq.s32 @!p0 s5, $0x0  }
0x1f: {  	s9 =	smul.u32 $0xF7A, s1;
	s8 =	simm.s32 @!p0 $0x1BF5;
	p2 =	por !p2, p0  }
0x20: {  	[sflag:s8] =	ssyncset.s32 @!p0 $0xFFFFF086;
	s6 =	sadd.s32 @!p0 s3, s7;
	s7 =	simm.s32 @!p0 $0x108  }
0x21: {  	s3 =	sadd.s32 s3, s9;
	s6 =	sadd.s32 @!p0 $0x88, s6;
	s7 =	simm.s32 @p2 $0x1082  }
0x22: {  	[simem:s7], [sflag:s8] =	dma.local @!p0 [hbm:s6], $0xF7A  }
0x23: {  	s9 =	sor.u32 $0xD0000000, s2;
	s6 =	simm.s32 $0x108;
	_ =	swait.ge @!p0 [sflag:s8], $0x0  }
0x24: {  	s3 =	sadd.s32 $0x88, s3;
	s6 =	simm.s32 @!p1 $0x1082;
	[sflag:s4] =	ssyncset.s32 $0xFFFFF086  }
0x25: {  	[simem:s6], [sflag:s4] =	dma.local [hbm:s3], $0xF7A  }
0x26: {  	[smem:$0x3F9F] =	sst s1;
	(tag) =	ssettag s2;
	_ =	strace s9  }
0x27: {  	s1 =	sld [smem:$0x3FAF]  }
0x28: {  	s2 =	sld [smem:$0x3FB0]  }
0x29: {  	s4 =	sld [smem:$0x3FB2]  }
0x2a: {  	p0 =	seq.s32 s5, $0x0;
	s5 =	sld [smem:$0x3FB3]  }
0x2b: {  	s6 =	sld [smem:$0x3FB4]  }
0x2c: {  	s7 =	sld [smem:$0x3FB5]  }
0x2d: {  	s3 =	simm.s32 $0x108;
	s8 =	sld [smem:$0x3FB6]  }
0x2e: {  	s3 =	simm.s32 @!p0 $0x1082;
	s9 =	sld [smem:$0x3FB7]  }
0x2f: {  	lr =	sadd.s32 s0, s3;
	s0 =	sld [smem:$0x3FAE]  }
0x30: {  	s3 =	sld [smem:$0x3FB1]  }
0x31: {  	[smem:$0x3FBA] =	sst s10  }
0x32: {  	s10 =	sld [smem:$0x3FB8];
	_ =	sdelay $0x3  }
0x33: {  	p0 =	seq.s32 s10, $0x1;
	s10 =	sld [smem:$0x3FBA];
	_ =	sdelay $0x3  }
0x34: {  	[smem:$0x3FBA] =	sst s10  }
0x35: {  	s10 =	sld [smem:$0x3FB9];
	_ =	sdelay $0x3  }
0x36: {  	p1 =	seq.s32 s10, $0x1;
	s10 =	sld [smem:$0x3FBA];
	_ =	sdelay $0x3  }
0x37: {  	[smem:$0x3FBA] =	sst s10  }
0x38: {  	s10 =	sld [smem:$0x3FBB]  }
0x39: {  	_ = 	snop;
	(pc) =	sbr.ind lr, $3  }
0x3a: {  	_ = 	snop  }
0x3b: {  	_ = 	snop  }
0x3c: {  	p2 =	seq.s32 s10, $0x1;
	s10 =	sld [smem:$0x3FBA]  }
0x3d: {  	_ =	shalt  }
0x3e: {  	_ =	shalt  }
0x3f: {  	_ =	shalt  }
0x40: {  	_ =	shalt  }
0x41: {  	_ =	shalt  }
0x42: {  	_ =	shalt  }
0x43: {  	_ =	shalt  }
0x44: {  	_ =	shalt  }
0x45: {  	_ =	shalt  }
0x46: {  	_ =	shalt  }
0x47: {  	_ =	shalt  }
0x48: {  	_ =	shalt  }
0x49: {  	_ =	shalt  }
0x4a: {  	_ =	shalt  }
0x4b: {  	_ =	shalt  }
0x4c: {  	_ =	shalt  }
0x4d: {  	_ =	shalt  }
0x4e: {  	_ =	shalt  }
0x4f: {  	_ =	shalt  }
0x50: {  	_ =	shalt  }
0x51: {  	_ =	shalt  }
0x52: {  	_ =	shalt  }
0x53: {  	_ =	shalt  }
0x54: {  	_ =	shalt  }
0x55: {  	_ =	shalt  }
0x56: {  	_ =	shalt  }
0x57: {  	_ =	shalt  }
0x58: {  	_ =	shalt  }
0x59: {  	_ =	shalt  }
0x5a: {  	_ =	shalt  }
0x5b: {  	_ =	shalt  }
0x5c: {  	_ =	shalt  }
0x5d: {  	_ =	shalt  }
0x5e: {  	_ =	shalt  }
0x5f: {  	_ =	shalt  }
0x60: {  	_ =	shalt  }
0x61: {  	_ =	shalt  }
0x62: {  	_ =	shalt  }
0x63: {  	_ =	shalt  }
0x64: {  	_ =	shalt  }
0x65: {  	_ =	shalt  }
0x66: {  	_ =	shalt  }
0x67: {  	_ =	shalt  }
0x68: {  	_ =	shalt  }
0x69: {  	_ =	shalt  }
0x6a: {  	_ =	shalt  }
0x6b: {  	_ =	shalt  }
0x6c: {  	_ =	shalt  }
0x6d: {  	_ =	shalt  }
0x6e: {  	_ =	shalt  }
0x6f: {  	_ =	shalt  }
0x70: {  	_ =	shalt  }
0x71: {  	_ =	shalt  }
0x72: {  	_ =	shalt  }
0x73: {  	_ =	shalt  }
0x74: {  	_ =	shalt  }
0x75: {  	_ =	shalt  }
0x76: {  	_ =	shalt  }
0x77: {  	_ =	shalt  }
0x78: {  	_ =	shalt  }
0x79: {  	_ =	shalt  }
0x7a: {  	_ =	shalt  }
0x7b: {  	_ =	shalt  }
0x7c: {  	_ =	shalt  }
0x7d: {  	_ =	shalt  }
0x7e: {  	_ =	shalt  }
0x7f: {  	_ =	shalt  }
0x80: {  	_ =	shalt  }
0x81: {  	_ =	shalt  }
0x82: {  	_ =	shalt  }
0x83: {  	_ =	shalt  }
0x84: {  	_ =	shalt  }
0x85: {  	_ =	shalt  }
0x86: {  	_ =	shalt  }
0x87: {  	_ =	shalt  }
.Lfunc_end0:
.L_simem_size_0:
called_computation.1_lowered:
.L_overlay_start_0:
0x88: {  	s2 =	sld [smem:$0x3FD9]  }
0x89: {  	s3 =	sld [smem:$0x3FFE];
	_ =	sdelay $0x1  }
0x8a: {  	s1 =	srdreg.scid  }
0x8b: {  	s0 =	sand.u32 $0x1, s1  }
0x8c: {  	s14 =	sshll.u32 s0, $0xA;
	s2 =	sadd.s32 s3, s2  }
0x8d: {  	s2 =	sadd.s32 s2, s14  }
0x8e: {  	[smem:$0x3FC6] =	sst s2  }
0x8f: {  	_ = 	snop  }
0x90: {  	s2 =	sld [smem:$0x3FD0];
	_ =	sdelay $0x2  }
0x91: {  	s4 =	simm.s32 $0xA;
	s5 =	simm.s32 $0x10;
	s15 =	sld [smem:$0x3FC8]  }
0x92: {  	[smem:s5], [sflag:s4] =	dma.local [hbm:s2], $0x1  }
0x93: {  	_ =	swait.eq [sflag:s4], $0x1  }
0x94: {  	[sflag:s4] =	ssyncset.done $0x0  }
0x95: {  	[sflag:s4] =	ssyncadd.s32 $0xFFFFFFFF  }
0x96: {  	s16 =	sld [smem:$0x11];
	(tm) =	ssettm $0x1  }
0x97: {  	s17 =	sld [smem:$0x3FFB];
	_ =	sdelay $0x3  }
0x98: {  	_ =	strace s17  }
0x99: {  	s4 =	sld [smem:$0x3FFC];
	_ =	sdelay $0x3  }
0x9a: {  	_ =	strace s4  }
0x9b: {  	s4 =	sld [smem:$0x3FFD];
	_ =	sdelay $0x3  }
0x9c: {  	_ =	strace s4  }
0x9d: {  	_ =	strace $0x8FFFFFFF  }
0x9e: {  	s18 =	sld [smem:$0x3FDB];
	_ =	sdelay $0x1  }
0x9f: {  	s19 =	simm.s32 $_scs_section_size  }
0xa0: {  	s6 =	simm.s32 $_size__tile_overlayer_lowered;
	s7 =	simm.s32 $_tile_overlayer_lowered  }
0xa1: {  	s22 =	simm.s32 $0x1BFF;
	s21 =	sshll.u32 s7, $0x1;
	s4 =	sadd.s32 s19, s18  }
0xa2: {  	s8 =	simm.s32 $0x0;
	s20 =	sshll.u32 s6, $0x1;
	s6 =	sadd.s32 s21, s4  }
0xa3: {  	[timem:s8], [sflag:s22] =	dma.local [hbm:s6], s20  }
0xa4: {  	_ =	swait.ge [sflag:s22], s20  }
0xa5: {  	s5 =	ssub.s32 $0x0, s20;
	[sflag:s22] =	ssyncset.done $0x0  }
0xa6: {  	[sflag:s22] =	ssyncadd.s32 s5;
	_ =	sdelay $0x1  }
0xa7: {  	s23 =	simm.s32 $0x1B8B  }
0xa8: {  	_ =	swait.ge [sflag:s23], $0x1  }
0xa9: {  	[sflag:s23] =	ssyncset.done $0x0  }
0xaa: {  	s25 =	simm.s32 $0x1B8E;
	s24 =	sld [smem:$0x3FFE];
	[sflag:s23] =	ssyncadd.s32 $0xFFFFFFFF  }
0xab: {  	s26 =	simm.s32 $execute0_lowered;
	[smem:$0x3FD2] =	sst s25  }
0xac: {  	s6 =	sshll.u32 s26, $0x1;
	_ =	strace $0x80000049;
	[dreg:$0x1] =	wrdreg $0xFFFFFFFF  }
0xad: {  	s28 =	simm.s32 $_size_execute0_lowered;
	s4 =	sadd.s32 s4, s6;
	[dreg:$0x0] =	wrdreg $0x0  }
0xae: {  	s6 =	sshll.u32 s28, $0x1;
	[dreg:$0x2] =	wrdreg s4  }
0xaf: {  	[dreg:$0x3] =	wrdreg s6  }
0xb0: {  	[dreg:$0x4] =	wrdreg $0xC0  }
0xb1: {  	_ =	task [dreg:s8], $0x5FFFF  }
0xb2: {  	[dreg:$0x1] =	wrdreg $0xFFFFFFFF  }
0xb3: {  	[dreg:$0x0] =	wrdreg $0x60  }
0xb4: {  	[dreg:$0x2] =	wrdreg s15  }
0xb5: {  	[dreg:$0x3] =	wrdreg s24  }
0xb6: {  	[dreg:$0x4] =	wrdreg s16  }
0xb7: {  	[dreg:$0x5] =	wrdreg $0x9  }
0xb8: {  	_ =	task.clear_ibuf [dreg:s8], $0x6FFFF;
	_ =	strace $0x90000049  }
0xb9: {  	s29 =	simm.s32 $0x9;
	_ =	strace $0x8000004B  }
0xba: {  	_ =	swait.ge [sflag:s29], $0x1  }
0xbb: {  	[sflag:s29] =	ssyncadd.s32 $0xFFFFFFFF  }
0xbc: {  	_ =	strace $0x9000004B  }
0xbd: {  	_ =	sfence  }
0xbe: {  	s30 =	sld [smem:$0x0];
	_ =	sdelay $0x2  }
0xbf: {  	s31 =	sshll.u32 s1, $0xD;
	s1 =	sshrl.u32 s1, $0x2  }
0xc0: {  	s3 =	sand.u32 $0x4000, s31;
	s1 =	sadd.s32 s1, s30  }
0xc1: {  	s0 =	sor.u32 s3, s0;
	s1 =	sshll.u32 s1, $0x11  }
0xc2: {  	s0 =	sor.u32 s1, s0  }
0xc3: {  	s0 =	sadd.s32 $0x8F2B, s0  }
0xc4: {  	[sflag:s0] =	ssyncadd.remote.s32 $0x1  }
0xc5: {  	_ =	sfence.sel $0xFFFF  }
0xc6: {  	[dreg:$0x0] =	wrdreg $0xFFFFFFFF;
	(pc) =	sbr.abs _section_cstart, $3  }
0xc7: {  	[dreg:$0x1] =	wrdreg $0xFFFFFFFF  }
0xc8: {  	_ =	task.clear_ibuf [dreg:s8], $0x2FFFF;
	_ =	strace $0x9FFFFFFF  }
0xc9: {  	(tm) =	ssettm $0x7FFFFFFF  }
tec
execute0_lowered:
.L_overlay_start_1:
0x0: {  	(tag) =	ssettag $0x1  }
0x1: {  	s1 =	rddreg [dreg:$0x0]  }
0x2: {  	s7 =	rddreg [dreg:$0x1]  }
0x3: {  	s2 =	rddreg [dreg:$0x2]  }
0x4: {  	s0 =	rddreg [dreg:$0x3];
	s3 =	simm.s32 $0x0  }
0x5: {  	s4 =	srdreg.scid;
	s11 =	simm.s32 $0x2010;
	s12 =	simm.s32 $0x3010  }
0x6: {  	v6 =	vlaneseq.u32;
	v1 =	vimm.s32 $0x52741630;
	s13 =	simm.s32 $0x4010;
	s14 =	simm.s32 $0x810;
	s15 =	simm.s32 $0x0  }
0x7: {  	v2 =	vimm.s32 $0x63052741;
	[smem:$0x7FF] =	sst s3;
	s8 =	sand.u32 $0x1, s4;
	s5 =	sadd.s32 $0x1065200, s7;
	v0 =	vmul.u32 $0x3, v6  }
0x8: {  	s6 =	sadd.s32 $0x1061200, s7;
	s4 =	stileid.u32;
	v1 =	vunpack.c.l.s4.s8 v1;
	v3 =	vunpack.c.l.s4.s8 v2;
	v2 =	vimm.s32 $0x74163052;
	s9 =	ssub.s32 $0x2, s8  }
0x9: {  	s7 =	sadd.s32 $0x1069200, s7;
	_ =	strace $0x8000004A;
	v5 =	vunpack.c.l.s4.s8 v2;
	s10 =	sshrl.u32 s9, $0x1  }
0xa: {  	v6 =	vor.u32 $0x80000000, v6;
	s31 =	sshll.u32 s4, $0x5;
	s8 =	sshll.u32 s8, $0x4;
	v1 =	vunpack.c.0.s8.s32 v1;
	v2 =	vadd.s32 $0x1, v0;
	s9 =	ssub.s32 s9, s10  }
0xb: {  	s8 =	sor.u32 s8, s31;
	v3 =	vunpack.c.0.s8.s32 v3;
	v4 =	vadd.s32 $0x2, v0;
	s10 =	simm.s32 $0x1;
	v5 =	vunpack.c.0.s8.s32 v5;
	s9 =	smax.u32 s9, $0x1  }
.LBB2_1:
0xc: {  	s16 =	simm.s32 $0x0  }
.LBB2_2:
0xd: {  	s17 =	sadd.s32 s8, s16  }
0xe: {  	s18 =	sshll.u32 s17, $0x8  }
0xf: {  	s19 =	sadd.s32 s1, s18;
	s18 =	simm.s32 $0x0  }
0x10: {  	[tilespmem:s18], [sflag:$0x1] =	stream.linear.gather [hbm4b:s19+s18], $0x800, $0x38;
	[tilespmem:$0x5010] =	vst v63  }
0x11: {  	_ =	swait.ge [sflag:s10], $0x800  }
0x12: {  	[sflag:s10] =	ssyncset.done $0x0  }
0x13: {  	s19 =	simm.s32 $0x0;
	[sflag:s10] =	ssyncadd.s32 $0xFFFFF800  }
.LBB2_4:
0x14: {  	v7 =	vld [tilespmem:s19+$0x0];
	_ =	sdelay $0x4  }
0x15: {  	(v2sf) =	vpush v7, $0x0;
	_ =	sdelay $0xe  }
0x16: {  	s30 =	spop (v2sf)  }
0x17: {  	s19 =	sand.u32 $0xFFFFFFF8, s30  }
0x18: {  	p0 =	slt.s32 s19, $0x1F000  }
0x19: {  	s19 =	simm.s32 @!p0 $0x1F000  }
0x1a: {  	s20 =	sshrl.u32 s19, $0x3  }
0x1b: {  	s21 =	sadd.s32 s5, s20  }
0x1c: {  	[tilespmem:s11], [sflag:$0x1] =	stream.linear.gather [hbm4b:s21+s18], $0x1000, $0x38;
	[tilespmem:$0x5010] =	vst v63  }
0x1d: {  	_ =	swait.ge [sflag:s10], $0x1000  }
0x1e: {  	[sflag:s10] =	ssyncset.done $0x0  }
0x1f: {  	s31 =	sadd.s32 s6, s20;
	[sflag:s10] =	ssyncadd.s32 $0xFFFFF000  }
0x20: {  	[tilespmem:s12], [sflag:$0x1] =	stream.linear.gather [hbm4b:s31+s18], $0x1000, $0x38;
	[tilespmem:$0x5010] =	vst v63  }
0x21: {  	_ =	swait.ge [sflag:s10], $0x1000  }
0x22: {  	[sflag:s10] =	ssyncset.done $0x0  }
0x23: {  	s20 =	sadd.s32 s2, s20;
	[sflag:s10] =	ssyncadd.s32 $0xFFFFF000  }
0x24: {  	[tilespmem:s13], [sflag:$0x1] =	stream.linear.gather [hbm4b:s20+s18], $0x1000, $0x38;
	[tilespmem:$0x5010] =	vst v63  }
0x25: {  	_ =	swait.ge [sflag:s10], $0x1000  }
0x26: {  	[sflag:s10] =	ssyncset.done $0x0  }
0x27: {  	[sflag:s10] =	ssyncadd.s32 $0xFFFFF000  }
0x28: {  	v8 =	vld [tilespmem:s18+$0x0];
	_ =	sdelay $0x3  }
0x29: {  	v7 =	vmov s19  }
0x2a: {  	v8 =	vsub.s32 v8, v7  }
0x2b: {  	v9 =	vor.u32 s18, v6;
	vm0 =	vgt.s32 v8, $0xFFF  }
0x2c: {  	v9 =	vnsel vm0, $0x80000800, v9  }
0x2d: {  	vm13 =	vgt.s32 v8, $0x0;
	(xrf0) =	vmin.scan.msk.u32 $0xffff, v9  }
0x2e: {  	v9 =	vnsel vm13, $0x0, v8  }
0x2f: {  	v9 =	vmin.u32 v9, $0xFFF;
	_ =	sdelay $0x2  }
0x30: {  	v10 =	vadd.s32 s18, v0;
	v11 =	vadd.s32 s18, v2  }
0x31: {  	v12 =	vadd.s32 s18, v4;
	v10 =	vand.u32 $0x3FF8, v10;
	vm14 =	vlt.u32 v8, $0x1000;
	v8, _, _ =	vpop (xrf0)  }
0x32: {  	v11 =	vand.u32 $0x3FF8, v11;
	v10 =	vor.u32 v1, v10;
	(v2sf) =	vpush v8, $0xF;
	v8 =	vld.idx.msk [tilespmem:v9+s11+$0x0], $0xffff  }
0x33: {  	v12 =	vand.u32 $0x3FF8, v12;
	v11 =	vor.u32 v3, v11;
	v13 =	vld.idx.msk [tilespmem:v9+s12+$0x0], $0xffff  }
0x34: {  	v12 =	vor.u32 v5, v12;
	v9 =	vld.idx.msk [tilespmem:v9+s13+$0x0], $0xffff;
	_ =	sdelay $0x2  }
0x35: {  	[tilespmem:v10+s14+$0x0] =	vst.idx.msk vm14, v8  }
0x36: {  	[tilespmem:v11+s14+$0x0] =	vst.idx.msk vm14, v13  }
0x37: {  	s20 =	simm.s32 $0x10;
	[tilespmem:v12+s14+$0x0] =	vst.idx.msk vm14, v9  }
0x38: {  	v8 =	vld [tilespmem:s20+$0x0];
	_ =	sdelay $0x4  }
0x39: {  	v9 =	vsub.s32 v8, v7  }
0x3a: {  	v8 =	vor.u32 s20, v6;
	vm15 =	vgt.s32 v9, $0x0;
	vm1 =	vgt.s32 v9, $0xFFF  }
0x3b: {  	s22 =	spop (v2sf);
	v10 =	vnsel vm15, $0x0, v9;
	v11 =	vnsel vm1, $0x80000800, v8  }
0x3c: {  	s23 =	simm.s32 $0x30;
	s24 =	simm.s32 $0x0;
	s22 =	sxor.u32 $0x80000000, s22;
	v8 =	vmin.u32 v10, $0xFFF;
	(xrf0) =	vmin.scan.msk.u32 $0xffff, v11  }
0x3d: {  	s19 =	simm.s32 $0x800;
	s21 =	simm.s32 $0x20;
	p1 =	sgt.s32 s22, $0x800  }
.LBB2_5:
0x3e: {  	s25 =	smov.u32 s19;
	s19 =	smov.u32 s22  }
0x3f: {  	p0 =	seq.s32 s23, $0x7F0;
	s24 =	sadd.s32 $0x30, s24;
	s19 =	smov.u32 @p1 s25  }
0x40: {  	v10 =	vadd.s32 s24, v0  }
0x41: {  	vm0 =	vlt.u32 v9, $0x1000;
	v11 =	vadd.s32 s24, v2;
	v10 =	vand.u32 $0x3FF8, v10;
	v9 =	vld.idx.msk [tilespmem:v8+s11+$0x0], $0xffff  }
0x42: {  	v13 =	vadd.s32 s24, v4;
	v11 =	vand.u32 $0x3FF8, v11;
	v10 =	vor.u32 v1, v10;
	v12 =	vld.idx.msk [tilespmem:v8+s12+$0x0], $0xffff;
	v14, _, _ =	vpop (xrf0)  }
0x43: {  	v13 =	vand.u32 $0x3FF8, v13;
	v11 =	vor.u32 v3, v11;
	v8 =	vld.idx.msk [tilespmem:v8+s13+$0x0], $0xffff;
	(v2sf) =	vpush v14, $0xF  }
0x44: {  	v13 =	vor.u32 v5, v13;
	_ =	sdelay $0x2  }
0x45: {  	[tilespmem:v10+s14+$0x0] =	vst.idx.msk vm0, v9  }
0x46: {  	[tilespmem:v11+s14+$0x0] =	vst.idx.msk vm0, v12  }
0x47: {  	s20 =	sadd.s32 $0x10, s20;
	[tilespmem:v13+s14+$0x0] =	vst.idx.msk vm0, v8  }
0x48: {  	v8 =	vld [tilespmem:s20+$0x0];
	_ =	sdelay $0x4  }
0x49: {  	v9 =	vsub.s32 v8, v7  }
.Ltmp0:
0x4a: {  	v8 =	vor.u32 s21, v6;
	s21 =	smov.u32 s23;
	vm0 =	vgt.s32 v9, $0x0;
	vm1 =	vgt.s32 v9, $0xFFF;
	(pc) =	sbr.rel @!p0 .LBB2_5-.Ltmp0, $4  }
0x4b: {  	v10 =	vnsel vm0, $0x0, v9;
	v11 =	vnsel vm1, $0x80000800, v8  }
0x4c: {  	v8 =	vmin.u32 v10, $0xFFF;
	(xrf0) =	vmin.scan.msk.u32 $0xffff, v11;
	s22 =	spop (v2sf)  }
0x4d: {  	s22 =	sxor.u32 $0x80000000, s22  }
0x4e: {  	s23 =	sadd.s32 $0x10, s23;
	p1 =	slt.s32 s19, s22  }
0x4f: {  	_ = 	snop  }
0x50: {  	s23 =	sadd.s32 $0x30, s24  }
0x51: {  	v10 =	vadd.s32 s23, v0  }
0x52: {  	vm0 =	vlt.u32 v9, $0x1000;
	v60 =	vadd.s32 s23, v2;
	v59 =	vand.u32 $0x3FF8, v10  }
0x53: {  	v11 =	vld.idx.msk [tilespmem:v8+s11+$0x0], $0xffff;
	v12 =	vadd.s32 s23, v4;
	v10 =	vand.u32 $0x3FF8, v60;
	v9 =	vor.u32 v1, v59  }
0x54: {  	v13 =	vld.idx.msk [tilespmem:v8+s12+$0x0], $0xffff;
	v12 =	vand.u32 $0x3FF8, v12;
	v10 =	vor.u32 v3, v10  }
0x55: {  	v8 =	vld.idx.msk [tilespmem:v8+s13+$0x0], $0xffff;
	v12 =	vor.u32 v5, v12;
	_ =	sdelay $0x2  }
0x56: {  	[tilespmem:v9+s14+$0x0] =	vst.idx.msk vm0, v11  }
0x57: {  	[tilespmem:v10+s14+$0x0] =	vst.idx.msk vm0, v13  }
0x58: {  	s20 =	sadd.s32 $0x10, s20;
	[tilespmem:v12+s14+$0x0] =	vst.idx.msk vm0, v8  }
0x59: {  	v8 =	vld [tilespmem:s20+$0x0];
	_ =	sdelay $0x4  }
0x5a: {  	v7 =	vsub.s32 v8, v7  }
0x5b: {  	v8 =	vor.u32 s21, v6;
	vm13 =	vgt.s32 v7, $0xFFF  }
0x5c: {  	v8 =	vnsel vm13, $0x80000800, v8  }
0x5d: {  	(xrf0) =	vmin.scan.msk.u32 $0xffff, v8;
	_ =	sdelay $0x3  }
0x5e: {  	v8, _, _ =	vpop (xrf0)  }
0x5f: {  	(v2sf) =	vpush v8, $0xF  }
0x60: {  	v8, _, _ =	vpop (xrf0)  }
0x61: {  	(v2sf) =	vpush v8, $0xF;
	_ =	sdelay $0x3  }
0x62: {  	vm14 =	vgt.s32 v7, $0x0  }
0x63: {  	v8 =	vnsel vm14, $0x0, v7  }
0x64: {  	v8 =	vmin.u32 v8, $0xFFF;
	_ =	sdelay $0x1  }
0x65: {  	s29 =	sadd.s32 $0x30, s23  }
0x66: {  	v61 =	vadd.s32 s29, v0  }
0x67: {  	v62 =	vadd.s32 s29, v2;
	vm15 =	vlt.u32 v7, $0x1000;
	v7 =	vand.u32 $0x3FF8, v61  }
0x68: {  	v63 =	vadd.s32 s29, v4;
	v9 =	vand.u32 $0x3FF8, v62;
	v7 =	vor.u32 v1, v7;
	v10 =	vld.idx.msk [tilespmem:v8+s11+$0x0], $0xffff  }
0x69: {  	v11 =	vand.u32 $0x3FF8, v63;
	v9 =	vor.u32 v3, v9;
	v12 =	vld.idx.msk [tilespmem:v8+s12+$0x0], $0xffff  }
0x6a: {  	v11 =	vor.u32 v5, v11;
	v8 =	vld.idx.msk [tilespmem:v8+s13+$0x0], $0xffff;
	s30 =	spop (v2sf)  }
0x6b: {  	s22 =	smov.u32 @p1 s19;
	s20 =	sxor.u32 $0x80000000, s30  }
0x6c: {  	p0 =	slt.s32 s22, s20;
	s31 =	spop (v2sf)  }
0x6d: {  	[tilespmem:v7+s14+$0x0] =	vst.idx.msk vm15, v10;
	s20 =	smov.u32 @p0 s22;
	s19 =	sxor.u32 $0x80000000, s31  }
0x6e: {  	[tilespmem:v9+s14+$0x0] =	vst.idx.msk vm15, v12;
	p0 =	slt.s32 s20, s19  }
0x6f: {  	[tilespmem:v11+s14+$0x0] =	vst.idx.msk vm15, v8;
	s19 =	smov.u32 @p0 s20  }
0x70: {  	p0 =	sgt.s32 s19, $0x7FF  }
.Ltmp1:
0x71: {  	_ = 	snop;
	(pc) =	sbr.rel @!p0 .LBB2_4-.Ltmp1, $1  }
0x72: {  	_ =	sdelay $0x3  }
0x73: {  	s17 =	smul.u32 $0x300, s17;
	s16 =	sadd.s32 $0x1, s16  }
0x74: {  	p0 =	sne.s32 s16, $0x10  }
.Ltmp2:
0x75: {  	s17 =	sadd.s32 s7, s17;
	(pc) =	sbr.rel @p0 .LBB2_2-.Ltmp2, $4  }
0x76: {  	[hbm4b:s17+s3] =	stream.linear.scatter [tilespmem:s14], [sflag:$0x1], $0x1800, $0x38;
	[tilespmem:$0x5010] =	vst v63  }
0x77: {  	_ =	swait.ge [sflag:s10], $0x1800  }
0x78: {  	[sflag:s10] =	ssyncset.done $0x0  }
0x79: {  	[sflag:s10] =	ssyncadd.s32 $0xFFFFE800  }
0x7a: {  	s15 =	sadd.s32 $0x1, s15  }
0x7b: {  	p0 =	sne.s32 s15, s9  }
.Ltmp3:
0x7c: {  	_ = 	snop;
	(pc) =	sbr.rel @p0 .LBB2_1-.Ltmp3, $1  }
0x7d: {  	_ =	sdelay $0x3  }
0x7e: {  	_ =	sfence.sel $0x180000  }
0x7f: {  	[bflag:$0x0] =	sbarrier.arrive $0xFFFF  }
0x80: {  	p0 =	sne.s32 s4, $0x0;
	_ =	strace $0x9000004A  }
0x81: {  	s0 =	sadd.s32 @!p0 $0x100000, s0;
	[bflag:$0x2] =	sbarrier.arrive $0xFFFF  }
0x82: {  	[sflag:s0] =	ssyncadd.tile.s32 @!p0 $0x1;
	_ =	shalt  }
.Lfunc_end2:
_tile_overlayer_lowered:
.L_overlay_start_2:
0x83: {  	(tag) =	ssettag $0x2  }
0x84: {  	s0 =	rddreg [dreg:$0x0];
	s2 =	stileid.u32  }
0x85: {  	s1 =	rddreg [dreg:$0x1];
	p0 =	sne.s32 s2, $0x0  }
0x86: {  	s3 =	rddreg [dreg:$0x2];
	[bflag:$0x3] =	sbarrier.arrive $0xFFFF;
	s2 =	simm.s32 @!p0 $0x1C01  }
0x87: {  	[timem:s3], [sflag:s2] =	dma.local @!p0 [hbm:s0], s1  }
0x88: {  	s0 =	simm.s32 @!p0 $0x1  }
0x89: {  	_ =	swait.ge @!p0 [sflag:s0], s1  }
0x8a: {  	s1 =	ssub.s32 @!p0 $0x0, s1;
	[sflag:s0] =	ssyncset.done @!p0 $0x0  }
0x8b: {  	[sflag:s0] =	ssyncadd.s32 @!p0 s1  }
0x8c: {  	[bflag:$0x3] =	sbarrier.arrive $0xFFFF  }
0x8d: {  	_ =	shalt  }

</sc_bundles>
